<compile_context>
chip_gen: v7x
topology: tpu7x:2x2x1
jax: 0.10.2.dev20260603
libtpu: 0.0.44.dev20260713+nightly
codegen_flags: <defaults>
</compile_context>

<pallas_src>
import functools

import jax
import jax.numpy as jnp
from jax import lax
from jax.experimental import pallas as pl
from jax.experimental.pallas import tpu as pltpu
from jax.experimental.pallas import tpu_sc as plsc

N = 10000
E = 160000
D_IN = 256
D_H = 256
HALF = 128

NC = 2
NS = 16
L = 16

RPT = 640
RPT_LAST = N - RPT * (NS - 1)
ROWS_PAD = RPT * NS

CH = 64
NCH = E // CH

RB = 1000
NRB = N // RB

CPW1 = NCH // (NC * NS)
PAIRS1 = (CPW1 - 2) // 2

CPT3 = NCH // NS
QUADS3 = CPT3 // 4


def _mesh():
    return plsc.VectorSubcoreMesh(core_axis_name="c", subcore_axis_name="s",
                                  num_cores=NC, num_subcores=NS)


def _row_slab(s):
    return s * RPT, s == NS - 1




def _deg_count(ev):
    @functools.partial(
        pl.kernel,
        out_type=jax.ShapeDtypeStruct((NC * N,), jnp.float32),
        mesh=_mesh(),
        scratch_types=[
            pltpu.VMEM_SHARED((ROWS_PAD,), jnp.float32),
            pltpu.VMEM((RPT,), jnp.float32),
            pltpu.VMEM((CH,), jnp.float32),
            pltpu.VMEM((CPW1 * CH,), jnp.int32),
            pltpu.VMEM((CH,), jnp.int32),
            pltpu.VMEM((CH,), jnp.int32),
            pltpu.SemaphoreType.DMA,
            pltpu.SemaphoreType.DMA,
        ],
    )
    def k(ev_hbm, deg2_hbm, deg, zerov, onesb, dstall, dstb0, dstb1,
          sems0, sems1):
        c = lax.axis_index("c")
        s = lax.axis_index("s")
        base_r, is_last = _row_slab(s)
        w = c * NS + s
        first = w * CPW1

        pltpu.sync_copy(ev_hbm.at[pl.ds(E + first * CH, CPW1 * CH)], dstall)
        for g in range(CH // L):
            onesb[pl.ds(g * L, L)] = jnp.full((L,), 1.0, jnp.float32)
        for g in range(RPT // L):
            zerov[pl.ds(g * L, L)] = jnp.zeros((L,), jnp.float32)
        pltpu.sync_copy(zerov, deg.at[pl.ds(base_r, RPT)])
        plsc.subcore_barrier()

        def move(i, dstb):
            for g in range(CH // L):
                dstb[pl.ds(g * L, L)] = dstall[pl.ds(i * CH + g * L, L)]

        def fire(dstb, sem):
            pltpu.async_copy(onesb, deg.at[dstb], sem, add=True)

        def drain(dstb, sem):
            pltpu.make_async_copy(onesb, deg.at[dstb], sem).wait()

        move(0, dstb0)
        fire(dstb0, sems0)

        def pair(p, carry):
            i0 = 2 * p + 1
            move(i0, dstb1)
            fire(dstb1, sems1)
            drain(dstb0, sems0)
            move(i0 + 1, dstb0)
            fire(dstb0, sems0)
            drain(dstb1, sems1)
            return carry

        lax.fori_loop(0, PAIRS1, pair, 0)
        drain(dstb0, sems0)
        move(CPW1 - 1, dstb0)
        pltpu.sync_copy(onesb, deg.at[dstb0], add=True)

        @pl.when(w < 4)
        def _():
            pltpu.sync_copy(
                ev_hbm.at[pl.ds(E + (NC * NS * CPW1 + w) * CH, CH)], dstb0)
            pltpu.sync_copy(onesb, deg.at[dstb0], add=True)

        plsc.subcore_barrier()

        pltpu.sync_copy(deg.at[pl.ds(base_r, RPT)], zerov)

        @pl.when(jnp.logical_not(is_last))
        def _():
            pltpu.sync_copy(zerov,
                            deg2_hbm.at[pl.ds(c * N + base_r, RPT)])

        @pl.when(is_last)
        def _():
            pltpu.sync_copy(zerov.at[pl.ds(0, RPT_LAST)],
                            deg2_hbm.at[pl.ds(c * N + base_r, RPT_LAST)])

    return k(ev)




def _mm_body(x_ref, w_ref, deg_ref, o_ref):
    i = pl.program_id(0)
    d = deg_ref[0, i, :] + deg_ref[1, i, :] + 1.0
    dis = lax.rsqrt(d)
    h = jnp.dot(x_ref[...], w_ref[...], preferred_element_type=jnp.float32)
    h = h * dis[:, None]
    o_ref[0, :, :] = h[:, :HALF]
    o_ref[1, :, :] = h[:, HALF:]


def _matmul_scaled(x, W, degt):
    return pl.pallas_call(
        _mm_body,
        grid=(NRB,),
        in_specs=[
            pl.BlockSpec((RB, D_IN), lambda i: (i, 0)),
            pl.BlockSpec((D_IN, D_H), lambda i: (0, 0)),
            pl.BlockSpec((NC, NRB, RB), lambda i: (0, 0, 0)),
        ],
        out_specs=pl.BlockSpec((NC, RB, HALF), lambda i: (0, i, 0)),
        out_shape=jax.ShapeDtypeStruct((2, N, HALF), jnp.float32),
    )(x, W, degt)




def _edge_accumulate(hs2, ev):
    @functools.partial(
        pl.kernel,
        out_type=jax.ShapeDtypeStruct((NC, N, HALF), jnp.float32),
        mesh=_mesh(),
        scratch_types=[
            pltpu.VMEM_SHARED((N, HALF), jnp.float32),
            pltpu.VMEM((CH, HALF), jnp.float32),
            pltpu.VMEM((CH, HALF), jnp.float32),
            pltpu.VMEM((CH, HALF), jnp.float32),
            pltpu.VMEM((CH, HALF), jnp.float32),
            pltpu.VMEM((CPT3 * CH,), jnp.int32),
            pltpu.VMEM((CH,), jnp.int32),
            pltpu.VMEM((CH,), jnp.int32),
            pltpu.VMEM((CH,), jnp.int32),
            pltpu.VMEM((CH,), jnp.int32),
            pltpu.VMEM((CH,), jnp.int32),
            pltpu.VMEM((CH,), jnp.int32),
            pltpu.VMEM((CH,), jnp.int32),
            pltpu.VMEM((CH,), jnp.int32),
            pltpu.SemaphoreType.DMA,
            pltpu.SemaphoreType.DMA,
            pltpu.SemaphoreType.DMA,
            pltpu.SemaphoreType.DMA,
            pltpu.SemaphoreType.DMA,
            pltpu.SemaphoreType.DMA,
            pltpu.SemaphoreType.DMA,
            pltpu.SemaphoreType.DMA,
            pltpu.SemaphoreType.DMA,
            pltpu.SemaphoreType.DMA,
            pltpu.SemaphoreType.DMA,
            pltpu.SemaphoreType.DMA,
        ],
    )
    def k(hs_hbm, ev_hbm, acc2_hbm, acc,
          rows0, rows1, rows2, rows3, srcall,
          srcb0, srcb1, srcb2, srcb3, dstb0, dstb1, dstb2, dstb3,
          semg0, semg1, semg2, semg3, semi0, semi1, semi2, semi3,
          sems0, sems1, sems2, sems3):
        rows = [rows0, rows1, rows2, rows3]
        srcb = [srcb0, srcb1, srcb2, srcb3]
        dstb = [dstb0, dstb1, dstb2, dstb3]
        semg = [semg0, semg1, semg2, semg3]
        semi = [semi0, semi1, semi2, semi3]
        sems = [sems0, sems1, sems2, sems3]

        c = lax.axis_index("c")
        s = lax.axis_index("s")
        base_r, is_last = _row_slab(s)
        first = s * CPT3

        pltpu.sync_copy(ev_hbm.at[pl.ds(first * CH, CPT3 * CH)], srcall)

        @pl.when(jnp.logical_not(is_last))
        def _():
            pltpu.sync_copy(hs_hbm.at[c, pl.ds(base_r, RPT)],
                            acc.at[pl.ds(base_r, RPT)])

        @pl.when(is_last)
        def _():
            pltpu.sync_copy(hs_hbm.at[c, pl.ds(base_r, RPT_LAST)],
                            acc.at[pl.ds(base_r, RPT_LAST)])

        plsc.subcore_barrier()

        def launch(i, a):
            idx = srcall.at[pl.ds(i * CH, CH)]
            pltpu.async_copy(hs_hbm.at[c].at[idx], rows[a], semg[a])
            pltpu.async_copy(ev_hbm.at[pl.ds(E + (first + i) * CH, CH)],
                             dstb[a], semi[a])

        def retire(a):
            pltpu.make_async_copy(hs_hbm.at[c].at[srcb[a]], rows[a],
                                  semg[a]).wait()
            pltpu.make_async_copy(ev_hbm.at[pl.ds(0, CH)], dstb[a],
                                  semi[a]).wait()
            pltpu.async_copy(rows[a], acc.at[dstb[a]], sems[a], add=True)

        def wait_scat(a):
            pltpu.make_async_copy(rows[a], acc.at[dstb[a]], sems[a]).wait()

        launch(0, 0)
        launch(1, 1)
        launch(2, 2)

        def quad(q, carry):
            for a in range(4):
                i = 4 * q + a
                retire(a)
                nxt = (a + 3) % 4

                if a == 0:
                    @pl.when(q > 0)
                    def _():
                        wait_scat(nxt)
                    launch(i + 3, nxt)
                else:
                    wait_scat(nxt)

                    @pl.when(q < QUADS3 - 1)
                    def _():
                        launch(i + 3, nxt)
            return carry

        lax.fori_loop(0, QUADS3, quad, 0)
        wait_scat(3)

        @pl.when(s < 4)
        def _():
            pltpu.sync_copy(ev_hbm.at[pl.ds((NS * CPT3 + s) * CH, CH)], srcb0)
            pltpu.sync_copy(ev_hbm.at[pl.ds(E + (NS * CPT3 + s) * CH, CH)],
                            dstb0)
            pltpu.async_copy(hs_hbm.at[c].at[srcb0], rows0, semg0).wait()
            pltpu.sync_copy(rows0, acc.at[dstb0], add=True)

        plsc.subcore_barrier()

        @pl.when(jnp.logical_not(is_last))
        def _():
            pltpu.sync_copy(acc.at[pl.ds(base_r, RPT)],
                            acc2_hbm.at[c, pl.ds(base_r, RPT)])

        @pl.when(is_last)
        def _():
            pltpu.sync_copy(acc.at[pl.ds(base_r, RPT_LAST)],
                            acc2_hbm.at[c, pl.ds(base_r, RPT_LAST)])

    return k(hs2, ev)




def _ro_body(acc_ref, deg_ref, b_ref, o_ref):
    i = pl.program_id(0)
    d = deg_ref[0, i, :] + deg_ref[1, i, :] + 1.0
    dis = lax.rsqrt(d)
    a = jnp.concatenate([acc_ref[0], acc_ref[1]], axis=1)
    o_ref[...] = jnp.maximum(a * dis[:, None] + b_ref[0, :][None, :], 0.0)


def _readout(acc2, degt, b):
    return pl.pallas_call(
        _ro_body,
        grid=(NRB,),
        in_specs=[
            pl.BlockSpec((NC, RB, HALF), lambda i: (0, i, 0)),
            pl.BlockSpec((NC, NRB, RB), lambda i: (0, 0, 0)),
            pl.BlockSpec((1, D_H), lambda i: (0, 0)),
        ],
        out_specs=pl.BlockSpec((RB, D_H), lambda i: (i, 0)),
        out_shape=jax.ShapeDtypeStruct((N, D_H), jnp.float32),
    )(acc2, degt, b.reshape(1, D_H))


def kernel(x, edge_index, W, b):
    ev = edge_index.reshape(2 * E)
    deg2 = _deg_count(ev)
    degt = deg2.reshape(NC, NRB, RB)
    hs2 = _matmul_scaled(x, W, degt)
    acc2 = _edge_accumulate(hs2, ev)
    return _readout(acc2, degt, b)

# --- scband reference (transcript-rebuilt; emitter-appended) ---
"""Pipeline reference for scband-dgimodel-2001454760097 (READ-ONLY COPY).

The authoritative reference and input builder live on the scoring server;
editing this copy changes nothing except your own understanding.
"""

import jax, jax.numpy as jnp
import numpy as np

N = 10000
E = 160000
D_IN = 256
D_H = 256


def setup_inputs(seed: int = 0) -> dict:
    key = jax.random.key(seed)
    k1, k2, k3 = jax.random.split(key, 3)
    x = jax.random.normal(k1, (N, D_IN), dtype=jnp.float32)
    edge_index = jax.random.randint(k2, (2, E), 0, N, dtype=jnp.int32)
    # GCNConv linear weight (glorot/xavier uniform), shape [D_IN, D_H]
    limit = float(np.sqrt(6.0 / (D_IN + D_H)))
    W = jax.random.uniform(k3, (D_IN, D_H), dtype=jnp.float32, minval=-limit, maxval=limit)
    b = jnp.zeros((D_H,), dtype=jnp.float32)
    return {"x": x, "edge_index": edge_index, "W": W, "b": b}


def _gcn_forward(x, edge_index, W, b):
    # GCNConv with self-loops and symmetric normalization (PyG semantics),
    # followed by ReLU (DGIModel.forward -> Encoder with encoder_type='gcn').
    n = x.shape[0]
    src = edge_index[0]
    dst = edge_index[1]
    loop = jnp.arange(n, dtype=src.dtype)
    src = jnp.concatenate([src, loop])
    dst = jnp.concatenate([dst, loop])
    # degree computed on target nodes
    deg = jax.ops.segment_sum(jnp.ones(src.shape[0], dtype=x.dtype), dst, num_segments=n)
    deg_inv_sqrt = jnp.where(deg > 0, 1.0 / jnp.sqrt(deg), 0.0)
    norm = deg_inv_sqrt[src] * deg_inv_sqrt[dst]
    h = x @ W
    msg = h[src] * norm[:, None]
    out = jax.ops.segment_sum(msg, dst, num_segments=n) + b
    return jax.nn.relu(out)


def reference(x, edge_index, W, b):
    return _gcn_forward(x, edge_index, W, b)

if __name__ == "__main__":
    import jax
    _d = setup_inputs()
    print(jax.jit(kernel)(*tuple(_d.values())))

</pallas_src>

<mosaic_0001>
#map = affine_map<(d0, d1) -> (0, 0, 0)>
#map1 = affine_map<(d0, d1) -> (0)>
module attributes {stable_mosaic.version = 14 : i64} {
  func.func @k(%arg0: i32, %arg1: i32, %arg2: memref<2x10000x128xf32, #tpu.memory_space<hbm>>, %arg3: memref<320000xi32, #tpu.memory_space<hbm>>, %arg4: memref<2x10000x128xf32, #tpu.memory_space<hbm>>, %arg5: memref<10000x128xf32, #tpu.memory_space<vmem_shared>>, %arg6: memref<64x128xf32, #tpu.memory_space<vmem>>, %arg7: memref<64x128xf32, #tpu.memory_space<vmem>>, %arg8: memref<64x128xf32, #tpu.memory_space<vmem>>, %arg9: memref<64x128xf32, #tpu.memory_space<vmem>>, %arg10: memref<9984xi32, #tpu.memory_space<vmem>>, %arg11: memref<64xi32, #tpu.memory_space<vmem>>, %arg12: memref<64xi32, #tpu.memory_space<vmem>>, %arg13: memref<64xi32, #tpu.memory_space<vmem>>, %arg14: memref<64xi32, #tpu.memory_space<vmem>>, %arg15: memref<64xi32, #tpu.memory_space<vmem>>, %arg16: memref<64xi32, #tpu.memory_space<vmem>>, %arg17: memref<64xi32, #tpu.memory_space<vmem>>, %arg18: memref<64xi32, #tpu.memory_space<vmem>>, %arg19: memref<!tpu.dma_semaphore, #tpu.memory_space<semaphore_mem>>, %arg20: memref<!tpu.dma_semaphore, #tpu.memory_space<semaphore_mem>>, %arg21: memref<!tpu.dma_semaphore, #tpu.memory_space<semaphore_mem>>, %arg22: memref<!tpu.dma_semaphore, #tpu.memory_space<semaphore_mem>>, %arg23: memref<!tpu.dma_semaphore, #tpu.memory_space<semaphore_mem>>, %arg24: memref<!tpu.dma_semaphore, #tpu.memory_space<semaphore_mem>>, %arg25: memref<!tpu.dma_semaphore, #tpu.memory_space<semaphore_mem>>, %arg26: memref<!tpu.dma_semaphore, #tpu.memory_space<semaphore_mem>>, %arg27: memref<!tpu.dma_semaphore, #tpu.memory_space<semaphore_mem>>, %arg28: memref<!tpu.dma_semaphore, #tpu.memory_space<semaphore_mem>>, %arg29: memref<!tpu.dma_semaphore, #tpu.memory_space<semaphore_mem>>, %arg30: memref<!tpu.dma_semaphore, #tpu.memory_space<semaphore_mem>>) attributes {dimension_semantics = [#tpu.dimension_semantics<core_parallel>, #tpu.dimension_semantics<subcore_parallel>], iteration_bounds = array<i64: 2, 16>, scalar_prefetch = 0 : i64, scratch_operands = 26 : i64, tpu.core_type = #tpu.core_type<sc_vector_subcore>, window_params = [{transform_indices = #map}, {transform_indices = #map1}, {transform_indices = #map}]} {
    %mul3A = arith.constant 640 : i32
    %mul3A_0 = arith.muli %arg1, %mul3A : i32
    %eq3A = arith.constant 15 : i32
    %eq3A_1 = arith.cmpi eq, %arg1, %eq3A : i32
    %mul3A_2 = arith.constant 156 : i32
    %mul3A_3 = arith.muli %arg1, %mul3A_2 : i32
    %mul3A_4 = arith.constant 64 : i32
    %mul3A_5 = arith.muli %mul3A_3, %mul3A_4 : i32
    "tpu.region"() ({
      %run_scoped3A = tpu.sem_alloc : memref<!tpu.dma_semaphore, #tpu.memory_space<semaphore_mem>>
      %dma_start3A_80 = tpu.memref_slice %arg3[%mul3A_5] : memref<320000xi32, #tpu.memory_space<hbm>> -> memref<9984xi32, #tpu.memory_space<hbm>>
      %dma_start3A_81 = tpu.memref_slice %arg3[%mul3A_5] : memref<320000xi32, #tpu.memory_space<hbm>> -> memref<9984xi32, #tpu.memory_space<hbm>>
      tpu.enqueue_dma source(%dma_start3A_81 : memref<9984xi32, #tpu.memory_space<hbm>>) target(%arg10 : memref<9984xi32, #tpu.memory_space<vmem>>) target_semaphore(%run_scoped3A : memref<!tpu.dma_semaphore, #tpu.memory_space<semaphore_mem>>)
      %dma_wait3A_82 = tpu.memref_slice %arg3[%mul3A_5] : memref<320000xi32, #tpu.memory_space<hbm>> -> memref<9984xi32, #tpu.memory_space<hbm>>
      %dma_wait3A_83 = tpu.memref_slice %arg3[%mul3A_5] : memref<320000xi32, #tpu.memory_space<hbm>> -> memref<9984xi32, #tpu.memory_space<hbm>>
      tpu.wait_dma2 semaphore(%run_scoped3A : memref<!tpu.dma_semaphore, #tpu.memory_space<semaphore_mem>>) src(%dma_wait3A_83 : memref<9984xi32, #tpu.memory_space<hbm>>) dst(%arg10 : memref<9984xi32, #tpu.memory_space<vmem>>)
      tpu.yield
    }) : () -> ()
    %not3A = arith.constant true
    %not3A_6 = arith.xori %eq3A_1, %not3A : i1
    %convert_element_type3A = arith.extui %not3A_6 : i1 to i32
    %cond3A = arith.constant 0 : i32
    %cond3A_7 = arith.cmpi ne, %convert_element_type3A, %cond3A : i32
    scf.if %cond3A_7 {
      "tpu.region"() ({
        %run_scoped3A = tpu.sem_alloc : memref<!tpu.dma_semaphore, #tpu.memory_space<semaphore_mem>>
        %dma_start3A_80 = arith.constant 0 : i32
        %dma_start3A_81 = tpu.memref_slice %arg5[%mul3A_0, %dma_start3A_80] : memref<10000x128xf32, #tpu.memory_space<vmem_shared>> -> memref<640x128xf32, #tpu.memory_space<vmem_shared>>
        %dma_start3A_82 = arith.constant 0 : i32
        %dma_start3A_83 = tpu.memref_slice %arg2[%arg0, %mul3A_0, %dma_start3A_82] : memref<2x10000x128xf32, #tpu.memory_space<hbm>> -> memref<1x640x128xf32, #tpu.memory_space<hbm>>
        %dma_start3A_84 = tpu.memref_squeeze %dma_start3A_83 : memref<1x640x128xf32, #tpu.memory_space<hbm>> -> memref<640x128xf32, #tpu.memory_space<hbm>>
        tpu.enqueue_dma source(%dma_start3A_84 : memref<640x128xf32, #tpu.memory_space<hbm>>) target(%dma_start3A_81 : memref<640x128xf32, #tpu.memory_space<vmem_shared>>) target_semaphore(%run_scoped3A : memref<!tpu.dma_semaphore, #tpu.memory_space<semaphore_mem>>)
        %dma_wait3A_85 = arith.constant 0 : i32
        %dma_wait3A_86 = tpu.memref_slice %arg5[%mul3A_0, %dma_wait3A_85] : memref<10000x128xf32, #tpu.memory_space<vmem_shared>> -> memref<640x128xf32, #tpu.memory_space<vmem_shared>>
        %dma_wait3A_87 = arith.constant 0 : i32
        %dma_wait3A_88 = tpu.memref_slice %arg2[%arg0, %mul3A_0, %dma_wait3A_87] : memref<2x10000x128xf32, #tpu.memory_space<hbm>> -> memref<1x640x128xf32, #tpu.memory_space<hbm>>
        %dma_wait3A_89 = tpu.memref_squeeze %dma_wait3A_88 : memref<1x640x128xf32, #tpu.memory_space<hbm>> -> memref<640x128xf32, #tpu.memory_space<hbm>>
        tpu.wait_dma2 semaphore(%run_scoped3A : memref<!tpu.dma_semaphore, #tpu.memory_space<semaphore_mem>>) src(%dma_wait3A_89 : memref<640x128xf32, #tpu.memory_space<hbm>>) dst(%dma_wait3A_86 : memref<640x128xf32, #tpu.memory_space<vmem_shared>>)
        tpu.yield
      }) : () -> ()
    } else {
    }
    %convert_element_type3A_8 = arith.extui %eq3A_1 : i1 to i32
    %cond3A_9 = arith.constant 0 : i32
    %cond3A_10 = arith.cmpi ne, %convert_element_type3A_8, %cond3A_9 : i32
    scf.if %cond3A_10 {
      "tpu.region"() ({
        %run_scoped3A = tpu.sem_alloc : memref<!tpu.dma_semaphore, #tpu.memory_space<semaphore_mem>>
        %dma_start3A_80 = arith.constant 0 : i32
        %dma_start3A_81 = tpu.memref_slice %arg5[%mul3A_0, %dma_start3A_80] : memref<10000x128xf32, #tpu.memory_space<vmem_shared>> -> memref<400x128xf32, #tpu.memory_space<vmem_shared>>
        %dma_start3A_82 = arith.constant 0 : i32
        %dma_start3A_83 = tpu.memref_slice %arg2[%arg0, %mul3A_0, %dma_start3A_82] : memref<2x10000x128xf32, #tpu.memory_space<hbm>> -> memref<1x400x128xf32, #tpu.memory_space<hbm>>
        %dma_start3A_84 = tpu.memref_squeeze %dma_start3A_83 : memref<1x400x128xf32, #tpu.memory_space<hbm>> -> memref<400x128xf32, #tpu.memory_space<hbm>>
        tpu.enqueue_dma source(%dma_start3A_84 : memref<400x128xf32, #tpu.memory_space<hbm>>) target(%dma_start3A_81 : memref<400x128xf32, #tpu.memory_space<vmem_shared>>) target_semaphore(%run_scoped3A : memref<!tpu.dma_semaphore, #tpu.memory_space<semaphore_mem>>)
        %dma_wait3A_85 = arith.constant 0 : i32
        %dma_wait3A_86 = tpu.memref_slice %arg5[%mul3A_0, %dma_wait3A_85] : memref<10000x128xf32, #tpu.memory_space<vmem_shared>> -> memref<400x128xf32, #tpu.memory_space<vmem_shared>>
        %dma_wait3A_87 = arith.constant 0 : i32
        %dma_wait3A_88 = tpu.memref_slice %arg2[%arg0, %mul3A_0, %dma_wait3A_87] : memref<2x10000x128xf32, #tpu.memory_space<hbm>> -> memref<1x400x128xf32, #tpu.memory_space<hbm>>
        %dma_wait3A_89 = tpu.memref_squeeze %dma_wait3A_88 : memref<1x400x128xf32, #tpu.memory_space<hbm>> -> memref<400x128xf32, #tpu.memory_space<hbm>>
        tpu.wait_dma2 semaphore(%run_scoped3A : memref<!tpu.dma_semaphore, #tpu.memory_space<semaphore_mem>>) src(%dma_wait3A_89 : memref<400x128xf32, #tpu.memory_space<hbm>>) dst(%dma_wait3A_86 : memref<400x128xf32, #tpu.memory_space<vmem_shared>>)
        tpu.yield
      }) : () -> ()
    } else {
    }
    %barrier3A = arith.constant 0 : index
    tpu.barrier barrier_id(%barrier3A)
    %dma_start3A = arith.constant 0 : i32
    %dma_start3A_11 = tpu.memref_slice %arg10[%dma_start3A] : memref<9984xi32, #tpu.memory_space<vmem>> -> memref<64xi32, #tpu.memory_space<vmem>>
    %dma_start3A_12 = arith.constant 0 : i32
    %dma_start3A_13 = arith.constant 0 : i32
    %dma_start3A_14 = tpu.memref_slice %arg2[%arg0, %dma_start3A_12, %dma_start3A_13] : memref<2x10000x128xf32, #tpu.memory_space<hbm>> -> memref<1x10000x128xf32, #tpu.memory_space<hbm>>
    %dma_start3A_15 = tpu.memref_squeeze %dma_start3A_14 : memref<1x10000x128xf32, #tpu.memory_space<hbm>> -> memref<10000x128xf32, #tpu.memory_space<hbm>>
    %dma_start3A_16 = arith.constant 0 : i32
    %dma_start3A_17 = arith.constant 0 : i32
    %dma_start3A_18 = tpu.memref_slice %dma_start3A_15[%dma_start3A_16, %dma_start3A_17] : memref<10000x128xf32, #tpu.memory_space<hbm>> -> memref<10000x128xf32, #tpu.memory_space<hbm>>
    tpu.enqueue_indirect_dma source(%dma_start3A_18 : memref<10000x128xf32, #tpu.memory_space<hbm>>) target(%arg6 : memref<64x128xf32, #tpu.memory_space<vmem>>) offsets(%dma_start3A_11 : memref<64xi32, #tpu.memory_space<vmem>>) semaphore(%arg19 : memref<!tpu.dma_semaphore, #tpu.memory_space<semaphore_mem>>)
    %add3A = arith.constant 0 : i32
    %add3A_19 = arith.addi %mul3A_3, %add3A : i32
    %mul3A_20 = arith.constant 64 : i32
    %mul3A_21 = arith.muli %add3A_19, %mul3A_20 : i32
    %add3A_22 = arith.constant 160000 : i32
    %add3A_23 = arith.addi %add3A_22, %mul3A_21 : i32
    %dma_start3A_24 = tpu.memref_slice %arg3[%add3A_23] : memref<320000xi32, #tpu.memory_space<hbm>> -> memref<64xi32, #tpu.memory_space<hbm>>
    %dma_start3A_25 = tpu.memref_slice %arg3[%add3A_23] : memref<320000xi32, #tpu.memory_space<hbm>> -> memref<64xi32, #tpu.memory_space<hbm>>
    tpu.enqueue_dma source(%dma_start3A_25 : memref<64xi32, #tpu.memory_space<hbm>>) target(%arg15 : memref<64xi32, #tpu.memory_space<vmem>>) target_semaphore(%arg23 : memref<!tpu.dma_semaphore, #tpu.memory_space<semaphore_mem>>)
    %dma_start3A_26 = arith.constant 64 : i32
    %dma_start3A_27 = tpu.memref_slice %arg10[%dma_start3A_26] : memref<9984xi32, #tpu.memory_space<vmem>> -> memref<64xi32, #tpu.memory_space<vmem>>
    %dma_start3A_28 = arith.constant 0 : i32
    %dma_start3A_29 = arith.constant 0 : i32
    %dma_start3A_30 = tpu.memref_slice %arg2[%arg0, %dma_start3A_28, %dma_start3A_29] : memref<2x10000x128xf32, #tpu.memory_space<hbm>> -> memref<1x10000x128xf32, #tpu.memory_space<hbm>>
    %dma_start3A_31 = tpu.memref_squeeze %dma_start3A_30 : memref<1x10000x128xf32, #tpu.memory_space<hbm>> -> memref<10000x128xf32, #tpu.memory_space<hbm>>
    %dma_start3A_32 = arith.constant 0 : i32
    %dma_start3A_33 = arith.constant 0 : i32
    %dma_start3A_34 = tpu.memref_slice %dma_start3A_31[%dma_start3A_32, %dma_start3A_33] : memref<10000x128xf32, #tpu.memory_space<hbm>> -> memref<10000x128xf32, #tpu.memory_space<hbm>>
    tpu.enqueue_indirect_dma source(%dma_start3A_34 : memref<10000x128xf32, #tpu.memory_space<hbm>>) target(%arg7 : memref<64x128xf32, #tpu.memory_space<vmem>>) offsets(%dma_start3A_27 : memref<64xi32, #tpu.memory_space<vmem>>) semaphore(%arg20 : memref<!tpu.dma_semaphore, #tpu.memory_space<semaphore_mem>>)
    %add3A_35 = arith.constant 1 : i32
    %add3A_36 = arith.addi %mul3A_3, %add3A_35 : i32
    %mul3A_37 = arith.constant 64 : i32
    %mul3A_38 = arith.muli %add3A_36, %mul3A_37 : i32
    %add3A_39 = arith.constant 160000 : i32
    %add3A_40 = arith.addi %add3A_39, %mul3A_38 : i32
    %dma_start3A_41 = tpu.memref_slice %arg3[%add3A_40] : memref<320000xi32, #tpu.memory_space<hbm>> -> memref<64xi32, #tpu.memory_space<hbm>>
    %dma_start3A_42 = tpu.memref_slice %arg3[%add3A_40] : memref<320000xi32, #tpu.memory_space<hbm>> -> memref<64xi32, #tpu.memory_space<hbm>>
    tpu.enqueue_dma source(%dma_start3A_42 : memref<64xi32, #tpu.memory_space<hbm>>) target(%arg16 : memref<64xi32, #tpu.memory_space<vmem>>) target_semaphore(%arg24 : memref<!tpu.dma_semaphore, #tpu.memory_space<semaphore_mem>>)
    %dma_start3A_43 = arith.constant 128 : i32
    %dma_start3A_44 = tpu.memref_slice %arg10[%dma_start3A_43] : memref<9984xi32, #tpu.memory_space<vmem>> -> memref<64xi32, #tpu.memory_space<vmem>>
    %dma_start3A_45 = arith.constant 0 : i32
    %dma_start3A_46 = arith.constant 0 : i32
    %dma_start3A_47 = tpu.memref_slice %arg2[%arg0, %dma_start3A_45, %dma_start3A_46] : memref<2x10000x128xf32, #tpu.memory_space<hbm>> -> memref<1x10000x128xf32, #tpu.memory_space<hbm>>
    %dma_start3A_48 = tpu.memref_squeeze %dma_start3A_47 : memref<1x10000x128xf32, #tpu.memory_space<hbm>> -> memref<10000x128xf32, #tpu.memory_space<hbm>>
    %dma_start3A_49 = arith.constant 0 : i32
    %dma_start3A_50 = arith.constant 0 : i32
    %dma_start3A_51 = tpu.memref_slice %dma_start3A_48[%dma_start3A_49, %dma_start3A_50] : memref<10000x128xf32, #tpu.memory_space<hbm>> -> memref<10000x128xf32, #tpu.memory_space<hbm>>
    tpu.enqueue_indirect_dma source(%dma_start3A_51 : memref<10000x128xf32, #tpu.memory_space<hbm>>) target(%arg8 : memref<64x128xf32, #tpu.memory_space<vmem>>) offsets(%dma_start3A_44 : memref<64xi32, #tpu.memory_space<vmem>>) semaphore(%arg21 : memref<!tpu.dma_semaphore, #tpu.memory_space<semaphore_mem>>)
    %add3A_52 = arith.constant 2 : i32
    %add3A_53 = arith.addi %mul3A_3, %add3A_52 : i32
    %mul3A_54 = arith.constant 64 : i32
    %mul3A_55 = arith.muli %add3A_53, %mul3A_54 : i32
    %add3A_56 = arith.constant 160000 : i32
    %add3A_57 = arith.addi %add3A_56, %mul3A_55 : i32
    %dma_start3A_58 = tpu.memref_slice %arg3[%add3A_57] : memref<320000xi32, #tpu.memory_space<hbm>> -> memref<64xi32, #tpu.memory_space<hbm>>
    %dma_start3A_59 = tpu.memref_slice %arg3[%add3A_57] : memref<320000xi32, #tpu.memory_space<hbm>> -> memref<64xi32, #tpu.memory_space<hbm>>
    tpu.enqueue_dma source(%dma_start3A_59 : memref<64xi32, #tpu.memory_space<hbm>>) target(%arg17 : memref<64xi32, #tpu.memory_space<vmem>>) target_semaphore(%arg25 : memref<!tpu.dma_semaphore, #tpu.memory_space<semaphore_mem>>)
    %scan3A = arith.constant 0 : i32
    %scan3A_60 = arith.constant 0 : i32
    %scan3A_61 = arith.constant 39 : i32
    %scan3A_62 = arith.addi %scan3A_60, %scan3A_61 : i32
    %scan3A_63 = arith.constant 1 : i32
    scf.for %scan3A_80 = %scan3A_60 to %scan3A_62 step %scan3A_63  : i32 {
      %mul3A_81 = arith.constant 4 : i32
      %mul3A_82 = arith.muli %mul3A_81, %scan3A_80 : i32
      %add3A_83 = arith.constant 0 : i32
      %add3A_84 = arith.addi %mul3A_82, %add3A_83 : i32
      %dma_wait3A_85 = arith.constant 0 : i32
      %dma_wait3A_86 = arith.constant 0 : i32
      %dma_wait3A_87 = tpu.memref_slice %arg2[%arg0, %dma_wait3A_85, %dma_wait3A_86] : memref<2x10000x128xf32, #tpu.memory_space<hbm>> -> memref<1x10000x128xf32, #tpu.memory_space<hbm>>
      %dma_wait3A_88 = tpu.memref_squeeze %dma_wait3A_87 : memref<1x10000x128xf32, #tpu.memory_space<hbm>> -> memref<10000x128xf32, #tpu.memory_space<hbm>>
      %dma_wait3A_89 = arith.constant 0 : i32
      %dma_wait3A_90 = arith.constant 0 : i32
      %dma_wait3A_91 = tpu.memref_slice %dma_wait3A_88[%dma_wait3A_89, %dma_wait3A_90] : memref<10000x128xf32, #tpu.memory_space<hbm>> -> memref<10000x128xf32, #tpu.memory_space<hbm>>
      tpu.wait_indirect_dma semaphore(%arg19 : memref<!tpu.dma_semaphore, #tpu.memory_space<semaphore_mem>>) src(%dma_wait3A_91 : memref<10000x128xf32, #tpu.memory_space<hbm>>) dst(%arg6 : memref<64x128xf32, #tpu.memory_space<vmem>>)
      %dma_wait3A_92 = arith.constant 0 : i32
      %dma_wait3A_93 = tpu.memref_slice %arg3[%dma_wait3A_92] : memref<320000xi32, #tpu.memory_space<hbm>> -> memref<64xi32, #tpu.memory_space<hbm>>
      %dma_wait3A_94 = arith.constant 0 : i32
      %dma_wait3A_95 = tpu.memref_slice %arg3[%dma_wait3A_94] : memref<320000xi32, #tpu.memory_space<hbm>> -> memref<64xi32, #tpu.memory_space<hbm>>
      tpu.wait_dma2 semaphore(%arg23 : memref<!tpu.dma_semaphore, #tpu.memory_space<semaphore_mem>>) src(%dma_wait3A_95 : memref<64xi32, #tpu.memory_space<hbm>>) dst(%arg15 : memref<64xi32, #tpu.memory_space<vmem>>)
      %dma_start3A_96 = arith.constant 0 : i32
      %dma_start3A_97 = arith.constant 0 : i32
      %dma_start3A_98 = tpu.memref_slice %arg5[%dma_start3A_96, %dma_start3A_97] : memref<10000x128xf32, #tpu.memory_space<vmem_shared>> -> memref<10000x128xf32, #tpu.memory_space<vmem_shared>>
      tpu.enqueue_indirect_dma source(%arg6 : memref<64x128xf32, #tpu.memory_space<vmem>>) target(%dma_start3A_98 : memref<10000x128xf32, #tpu.memory_space<vmem_shared>>) offsets(%arg15 : memref<64xi32, #tpu.memory_space<vmem>>) semaphore(%arg27 : memref<!tpu.dma_semaphore, #tpu.memory_space<semaphore_mem>>) {add = true}
      %gt3A = arith.constant 0 : i32
      %gt3A_99 = arith.cmpi sgt, %scan3A_80, %gt3A : i32
      %convert_element_type3A_100 = arith.extui %gt3A_99 : i1 to i32
      %cond3A_101 = arith.constant 0 : i32
      %cond3A_102 = arith.cmpi ne, %convert_element_type3A_100, %cond3A_101 : i32
      scf.if %cond3A_102 {
        %dma_wait3A_200 = arith.constant 0 : i32
        %dma_wait3A_201 = arith.constant 0 : i32
        %dma_wait3A_202 = tpu.memref_slice %arg5[%dma_wait3A_200, %dma_wait3A_201] : memref<10000x128xf32, #tpu.memory_space<vmem_shared>> -> memref<10000x128xf32, #tpu.memory_space<vmem_shared>>
        tpu.wait_indirect_dma semaphore(%arg30 : memref<!tpu.dma_semaphore, #tpu.memory_space<semaphore_mem>>) src(%arg9 : memref<64x128xf32, #tpu.memory_space<vmem>>) dst(%dma_wait3A_202 : memref<10000x128xf32, #tpu.memory_space<vmem_shared>>)
      } else {
      }
      %add3A_103 = arith.constant 3 : i32
      %add3A_104 = arith.addi %add3A_84, %add3A_103 : i32
      %mul3A_105 = arith.constant 64 : i32
      %mul3A_106 = arith.muli %add3A_104, %mul3A_105 : i32
      %dma_start3A_107 = tpu.memref_slice %arg10[%mul3A_106] : memref<9984xi32, #tpu.memory_space<vmem>> -> memref<64xi32, #tpu.memory_space<vmem>>
      %dma_start3A_108 = arith.constant 0 : i32
      %dma_start3A_109 = arith.constant 0 : i32
      %dma_start3A_110 = tpu.memref_slice %arg2[%arg0, %dma_start3A_108, %dma_start3A_109] : memref<2x10000x128xf32, #tpu.memory_space<hbm>> -> memref<1x10000x128xf32, #tpu.memory_space<hbm>>
      %dma_start3A_111 = tpu.memref_squeeze %dma_start3A_110 : memref<1x10000x128xf32, #tpu.memory_space<hbm>> -> memref<10000x128xf32, #tpu.memory_space<hbm>>
      %dma_start3A_112 = arith.constant 0 : i32
      %dma_start3A_113 = arith.constant 0 : i32
      %dma_start3A_114 = tpu.memref_slice %dma_start3A_111[%dma_start3A_112, %dma_start3A_113] : memref<10000x128xf32, #tpu.memory_space<hbm>> -> memref<10000x128xf32, #tpu.memory_space<hbm>>
      tpu.enqueue_indirect_dma source(%dma_start3A_114 : memref<10000x128xf32, #tpu.memory_space<hbm>>) target(%arg9 : memref<64x128xf32, #tpu.memory_space<vmem>>) offsets(%dma_start3A_107 : memref<64xi32, #tpu.memory_space<vmem>>) semaphore(%arg22 : memref<!tpu.dma_semaphore, #tpu.memory_space<semaphore_mem>>)
      %add3A_115 = arith.addi %mul3A_3, %add3A_104 : i32
      %mul3A_116 = arith.constant 64 : i32
      %mul3A_117 = arith.muli %add3A_115, %mul3A_116 : i32
      %add3A_118 = arith.constant 160000 : i32
      %add3A_119 = arith.addi %add3A_118, %mul3A_117 : i32
      %dma_start3A_120 = tpu.memref_slice %arg3[%add3A_119] : memref<320000xi32, #tpu.memory_space<hbm>> -> memref<64xi32, #tpu.memory_space<hbm>>
      %dma_start3A_121 = tpu.memref_slice %arg3[%add3A_119] : memref<320000xi32, #tpu.memory_space<hbm>> -> memref<64xi32, #tpu.memory_space<hbm>>
      tpu.enqueue_dma source(%dma_start3A_121 : memref<64xi32, #tpu.memory_space<hbm>>) target(%arg18 : memref<64xi32, #tpu.memory_space<vmem>>) target_semaphore(%arg26 : memref<!tpu.dma_semaphore, #tpu.memory_space<semaphore_mem>>)
      %mul3A_122 = arith.constant 4 : i32
      %mul3A_123 = arith.muli %mul3A_122, %scan3A_80 : i32
      %add3A_124 = arith.constant 1 : i32
      %add3A_125 = arith.addi %mul3A_123, %add3A_124 : i32
      %dma_wait3A_126 = arith.constant 0 : i32
      %dma_wait3A_127 = arith.constant 0 : i32
      %dma_wait3A_128 = tpu.memref_slice %arg2[%arg0, %dma_wait3A_126, %dma_wait3A_127] : memref<2x10000x128xf32, #tpu.memory_space<hbm>> -> memref<1x10000x128xf32, #tpu.memory_space<hbm>>
      %dma_wait3A_129 = tpu.memref_squeeze %dma_wait3A_128 : memref<1x10000x128xf32, #tpu.memory_space<hbm>> -> memref<10000x128xf32, #tpu.memory_space<hbm>>
      %dma_wait3A_130 = arith.constant 0 : i32
      %dma_wait3A_131 = arith.constant 0 : i32
      %dma_wait3A_132 = tpu.memref_slice %dma_wait3A_129[%dma_wait3A_130, %dma_wait3A_131] : memref<10000x128xf32, #tpu.memory_space<hbm>> -> memref<10000x128xf32, #tpu.memory_space<hbm>>
      tpu.wait_indirect_dma semaphore(%arg20 : memref<!tpu.dma_semaphore, #tpu.memory_space<semaphore_mem>>) src(%dma_wait3A_132 : memref<10000x128xf32, #tpu.memory_space<hbm>>) dst(%arg7 : memref<64x128xf32, #tpu.memory_space<vmem>>)
      %dma_wait3A_133 = arith.constant 0 : i32
      %dma_wait3A_134 = tpu.memref_slice %arg3[%dma_wait3A_133] : memref<320000xi32, #tpu.memory_space<hbm>> -> memref<64xi32, #tpu.memory_space<hbm>>
      %dma_wait3A_135 = arith.constant 0 : i32
      %dma_wait3A_136 = tpu.memref_slice %arg3[%dma_wait3A_135] : memref<320000xi32, #tpu.memory_space<hbm>> -> memref<64xi32, #tpu.memory_space<hbm>>
      tpu.wait_dma2 semaphore(%arg24 : memref<!tpu.dma_semaphore, #tpu.memory_space<semaphore_mem>>) src(%dma_wait3A_136 : memref<64xi32, #tpu.memory_space<hbm>>) dst(%arg16 : memref<64xi32, #tpu.memory_space<vmem>>)
      %dma_start3A_137 = arith.constant 0 : i32
      %dma_start3A_138 = arith.constant 0 : i32
      %dma_start3A_139 = tpu.memref_slice %arg5[%dma_start3A_137, %dma_start3A_138] : memref<10000x128xf32, #tpu.memory_space<vmem_shared>> -> memref<10000x128xf32, #tpu.memory_space<vmem_shared>>
      tpu.enqueue_indirect_dma source(%arg7 : memref<64x128xf32, #tpu.memory_space<vmem>>) target(%dma_start3A_139 : memref<10000x128xf32, #tpu.memory_space<vmem_shared>>) offsets(%arg16 : memref<64xi32, #tpu.memory_space<vmem>>) semaphore(%arg28 : memref<!tpu.dma_semaphore, #tpu.memory_space<semaphore_mem>>) {add = true}
      %dma_wait3A_140 = arith.constant 0 : i32
      %dma_wait3A_141 = arith.constant 0 : i32
      %dma_wait3A_142 = tpu.memref_slice %arg5[%dma_wait3A_140, %dma_wait3A_141] : memref<10000x128xf32, #tpu.memory_space<vmem_shared>> -> memref<10000x128xf32, #tpu.memory_space<vmem_shared>>
      tpu.wait_indirect_dma semaphore(%arg27 : memref<!tpu.dma_semaphore, #tpu.memory_space<semaphore_mem>>) src(%arg6 : memref<64x128xf32, #tpu.memory_space<vmem>>) dst(%dma_wait3A_142 : memref<10000x128xf32, #tpu.memory_space<vmem_shared>>)
      %lt3A_143 = arith.constant 38 : i32
      %lt3A_144 = arith.cmpi slt, %scan3A_80, %lt3A_143 : i32
      %convert_element_type3A_145 = arith.extui %lt3A_144 : i1 to i32
      %cond3A_146 = arith.constant 0 : i32
      %cond3A_147 = arith.cmpi ne, %convert_element_type3A_145, %cond3A_146 : i32
      scf.if %cond3A_147 {
        %add3A_200 = arith.constant 3 : i32
        %add3A_201 = arith.addi %add3A_125, %add3A_200 : i32
        %mul3A_202 = arith.constant 64 : i32
        %mul3A_203 = arith.muli %add3A_201, %mul3A_202 : i32
        %dma_start3A_204 = tpu.memref_slice %arg10[%mul3A_203] : memref<9984xi32, #tpu.memory_space<vmem>> -> memref<64xi32, #tpu.memory_space<vmem>>
        %dma_start3A_205 = arith.constant 0 : i32
        %dma_start3A_206 = arith.constant 0 : i32
        %dma_start3A_207 = tpu.memref_slice %arg2[%arg0, %dma_start3A_205, %dma_start3A_206] : memref<2x10000x128xf32, #tpu.memory_space<hbm>> -> memref<1x10000x128xf32, #tpu.memory_space<hbm>>
        %dma_start3A_208 = tpu.memref_squeeze %dma_start3A_207 : memref<1x10000x128xf32, #tpu.memory_space<hbm>> -> memref<10000x128xf32, #tpu.memory_space<hbm>>
        %dma_start3A_209 = arith.constant 0 : i32
        %dma_start3A_210 = arith.constant 0 : i32
        %dma_start3A_211 = tpu.memref_slice %dma_start3A_208[%dma_start3A_209, %dma_start3A_210] : memref<10000x128xf32, #tpu.memory_space<hbm>> -> memref<10000x128xf32, #tpu.memory_space<hbm>>
        tpu.enqueue_indirect_dma source(%dma_start3A_211 : memref<10000x128xf32, #tpu.memory_space<hbm>>) target(%arg6 : memref<64x128xf32, #tpu.memory_space<vmem>>) offsets(%dma_start3A_204 : memref<64xi32, #tpu.memory_space<vmem>>) semaphore(%arg19 : memref<!tpu.dma_semaphore, #tpu.memory_space<semaphore_mem>>)
        %add3A_212 = arith.addi %mul3A_3, %add3A_201 : i32
        %mul3A_213 = arith.constant 64 : i32
        %mul3A_214 = arith.muli %add3A_212, %mul3A_213 : i32
        %add3A_215 = arith.constant 160000 : i32
        %add3A_216 = arith.addi %add3A_215, %mul3A_214 : i32
        %dma_start3A_217 = tpu.memref_slice %arg3[%add3A_216] : memref<320000xi32, #tpu.memory_space<hbm>> -> memref<64xi32, #tpu.memory_space<hbm>>
        %dma_start3A_218 = tpu.memref_slice %arg3[%add3A_216] : memref<320000xi32, #tpu.memory_space<hbm>> -> memref<64xi32, #tpu.memory_space<hbm>>
        tpu.enqueue_dma source(%dma_start3A_218 : memref<64xi32, #tpu.memory_space<hbm>>) target(%arg15 : memref<64xi32, #tpu.memory_space<vmem>>) target_semaphore(%arg23 : memref<!tpu.dma_semaphore, #tpu.memory_space<semaphore_mem>>)
      } else {
      }
      %mul3A_148 = arith.constant 4 : i32
      %mul3A_149 = arith.muli %mul3A_148, %scan3A_80 : i32
      %add3A_150 = arith.constant 2 : i32
      %add3A_151 = arith.addi %mul3A_149, %add3A_150 : i32
      %dma_wait3A_152 = arith.constant 0 : i32
      %dma_wait3A_153 = arith.constant 0 : i32
      %dma_wait3A_154 = tpu.memref_slice %arg2[%arg0, %dma_wait3A_152, %dma_wait3A_153] : memref<2x10000x128xf32, #tpu.memory_space<hbm>> -> memref<1x10000x128xf32, #tpu.memory_space<hbm>>
      %dma_wait3A_155 = tpu.memref_squeeze %dma_wait3A_154 : memref<1x10000x128xf32, #tpu.memory_space<hbm>> -> memref<10000x128xf32, #tpu.memory_space<hbm>>
      %dma_wait3A_156 = arith.constant 0 : i32
      %dma_wait3A_157 = arith.constant 0 : i32
      %dma_wait3A_158 = tpu.memref_slice %dma_wait3A_155[%dma_wait3A_156, %dma_wait3A_157] : memref<10000x128xf32, #tpu.memory_space<hbm>> -> memref<10000x128xf32, #tpu.memory_space<hbm>>
      tpu.wait_indirect_dma semaphore(%arg21 : memref<!tpu.dma_semaphore, #tpu.memory_space<semaphore_mem>>) src(%dma_wait3A_158 : memref<10000x128xf32, #tpu.memory_space<hbm>>) dst(%arg8 : memref<64x128xf32, #tpu.memory_space<vmem>>)
      %dma_wait3A_159 = arith.constant 0 : i32
      %dma_wait3A_160 = tpu.memref_slice %arg3[%dma_wait3A_159] : memref<320000xi32, #tpu.memory_space<hbm>> -> memref<64xi32, #tpu.memory_space<hbm>>
      %dma_wait3A_161 = arith.constant 0 : i32
      %dma_wait3A_162 = tpu.memref_slice %arg3[%dma_wait3A_161] : memref<320000xi32, #tpu.memory_space<hbm>> -> memref<64xi32, #tpu.memory_space<hbm>>
      tpu.wait_dma2 semaphore(%arg25 : memref<!tpu.dma_semaphore, #tpu.memory_space<semaphore_mem>>) src(%dma_wait3A_162 : memref<64xi32, #tpu.memory_space<hbm>>) dst(%arg17 : memref<64xi32, #tpu.memory_space<vmem>>)
      %dma_start3A_163 = arith.constant 0 : i32
      %dma_start3A_164 = arith.constant 0 : i32
      %dma_start3A_165 = tpu.memref_slice %arg5[%dma_start3A_163, %dma_start3A_164] : memref<10000x128xf32, #tpu.memory_space<vmem_shared>> -> memref<10000x128xf32, #tpu.memory_space<vmem_shared>>
      tpu.enqueue_indirect_dma source(%arg8 : memref<64x128xf32, #tpu.memory_space<vmem>>) target(%dma_start3A_165 : memref<10000x128xf32, #tpu.memory_space<vmem_shared>>) offsets(%arg17 : memref<64xi32, #tpu.memory_space<vmem>>) semaphore(%arg29 : memref<!tpu.dma_semaphore, #tpu.memory_space<semaphore_mem>>) {add = true}
      %dma_wait3A_166 = arith.constant 0 : i32
      %dma_wait3A_167 = arith.constant 0 : i32
      %dma_wait3A_168 = tpu.memref_slice %arg5[%dma_wait3A_166, %dma_wait3A_167] : memref<10000x128xf32, #tpu.memory_space<vmem_shared>> -> memref<10000x128xf32, #tpu.memory_space<vmem_shared>>
      tpu.wait_indirect_dma semaphore(%arg28 : memref<!tpu.dma_semaphore, #tpu.memory_space<semaphore_mem>>) src(%arg7 : memref<64x128xf32, #tpu.memory_space<vmem>>) dst(%dma_wait3A_168 : memref<10000x128xf32, #tpu.memory_space<vmem_shared>>)
      %lt3A_169 = arith.constant 38 : i32
      %lt3A_170 = arith.cmpi slt, %scan3A_80, %lt3A_169 : i32
      %convert_element_type3A_171 = arith.extui %lt3A_170 : i1 to i32
      %cond3A_172 = arith.constant 0 : i32
      %cond3A_173 = arith.cmpi ne, %convert_element_type3A_171, %cond3A_172 : i32
      scf.if %cond3A_173 {
        %add3A_200 = arith.constant 3 : i32
        %add3A_201 = arith.addi %add3A_151, %add3A_200 : i32
        %mul3A_202 = arith.constant 64 : i32
        %mul3A_203 = arith.muli %add3A_201, %mul3A_202 : i32
        %dma_start3A_204 = tpu.memref_slice %arg10[%mul3A_203] : memref<9984xi32, #tpu.memory_space<vmem>> -> memref<64xi32, #tpu.memory_space<vmem>>
        %dma_start3A_205 = arith.constant 0 : i32
        %dma_start3A_206 = arith.constant 0 : i32
        %dma_start3A_207 = tpu.memref_slice %arg2[%arg0, %dma_start3A_205, %dma_start3A_206] : memref<2x10000x128xf32, #tpu.memory_space<hbm>> -> memref<1x10000x128xf32, #tpu.memory_space<hbm>>
        %dma_start3A_208 = tpu.memref_squeeze %dma_start3A_207 : memref<1x10000x128xf32, #tpu.memory_space<hbm>> -> memref<10000x128xf32, #tpu.memory_space<hbm>>
        %dma_start3A_209 = arith.constant 0 : i32
        %dma_start3A_210 = arith.constant 0 : i32
        %dma_start3A_211 = tpu.memref_slice %dma_start3A_208[%dma_start3A_209, %dma_start3A_210] : memref<10000x128xf32, #tpu.memory_space<hbm>> -> memref<10000x128xf32, #tpu.memory_space<hbm>>
        tpu.enqueue_indirect_dma source(%dma_start3A_211 : memref<10000x128xf32, #tpu.memory_space<hbm>>) target(%arg7 : memref<64x128xf32, #tpu.memory_space<vmem>>) offsets(%dma_start3A_204 : memref<64xi32, #tpu.memory_space<vmem>>) semaphore(%arg20 : memref<!tpu.dma_semaphore, #tpu.memory_space<semaphore_mem>>)
        %add3A_212 = arith.addi %mul3A_3, %add3A_201 : i32
        %mul3A_213 = arith.constant 64 : i32
        %mul3A_214 = arith.muli %add3A_212, %mul3A_213 : i32
        %add3A_215 = arith.constant 160000 : i32
        %add3A_216 = arith.addi %add3A_215, %mul3A_214 : i32
        %dma_start3A_217 = tpu.memref_slice %arg3[%add3A_216] : memref<320000xi32, #tpu.memory_space<hbm>> -> memref<64xi32, #tpu.memory_space<hbm>>
        %dma_start3A_218 = tpu.memref_slice %arg3[%add3A_216] : memref<320000xi32, #tpu.memory_space<hbm>> -> memref<64xi32, #tpu.memory_space<hbm>>
        tpu.enqueue_dma source(%dma_start3A_218 : memref<64xi32, #tpu.memory_space<hbm>>) target(%arg16 : memref<64xi32, #tpu.memory_space<vmem>>) target_semaphore(%arg24 : memref<!tpu.dma_semaphore, #tpu.memory_space<semaphore_mem>>)
      } else {
      }
      %mul3A_174 = arith.constant 4 : i32
      %mul3A_175 = arith.muli %mul3A_174, %scan3A_80 : i32
      %add3A_176 = arith.constant 3 : i32
      %add3A_177 = arith.addi %mul3A_175, %add3A_176 : i32
      %dma_wait3A_178 = arith.constant 0 : i32
      %dma_wait3A_179 = arith.constant 0 : i32
      %dma_wait3A_180 = tpu.memref_slice %arg2[%arg0, %dma_wait3A_178, %dma_wait3A_179] : memref<2x10000x128xf32, #tpu.memory_space<hbm>> -> memref<1x10000x128xf32, #tpu.memory_space<hbm>>
      %dma_wait3A_181 = tpu.memref_squeeze %dma_wait3A_180 : memref<1x10000x128xf32, #tpu.memory_space<hbm>> -> memref<10000x128xf32, #tpu.memory_space<hbm>>
      %dma_wait3A_182 = arith.constant 0 : i32
      %dma_wait3A_183 = arith.constant 0 : i32
      %dma_wait3A_184 = tpu.memref_slice %dma_wait3A_181[%dma_wait3A_182, %dma_wait3A_183] : memref<10000x128xf32, #tpu.memory_space<hbm>> -> memref<10000x128xf32, #tpu.memory_space<hbm>>
      tpu.wait_indirect_dma semaphore(%arg22 : memref<!tpu.dma_semaphore, #tpu.memory_space<semaphore_mem>>) src(%dma_wait3A_184 : memref<10000x128xf32, #tpu.memory_space<hbm>>) dst(%arg9 : memref<64x128xf32, #tpu.memory_space<vmem>>)
      %dma_wait3A_185 = arith.constant 0 : i32
      %dma_wait3A_186 = tpu.memref_slice %arg3[%dma_wait3A_185] : memref<320000xi32, #tpu.memory_space<hbm>> -> memref<64xi32, #tpu.memory_space<hbm>>
      %dma_wait3A_187 = arith.constant 0 : i32
      %dma_wait3A_188 = tpu.memref_slice %arg3[%dma_wait3A_187] : memref<320000xi32, #tpu.memory_space<hbm>> -> memref<64xi32, #tpu.memory_space<hbm>>
      tpu.wait_dma2 semaphore(%arg26 : memref<!tpu.dma_semaphore, #tpu.memory_space<semaphore_mem>>) src(%dma_wait3A_188 : memref<64xi32, #tpu.memory_space<hbm>>) dst(%arg18 : memref<64xi32, #tpu.memory_space<vmem>>)
      %dma_start3A_189 = arith.constant 0 : i32
      %dma_start3A_190 = arith.constant 0 : i32
      %dma_start3A_191 = tpu.memref_slice %arg5[%dma_start3A_189, %dma_start3A_190] : memref<10000x128xf32, #tpu.memory_space<vmem_shared>> -> memref<10000x128xf32, #tpu.memory_space<vmem_shared>>
      tpu.enqueue_indirect_dma source(%arg9 : memref<64x128xf32, #tpu.memory_space<vmem>>) target(%dma_start3A_191 : memref<10000x128xf32, #tpu.memory_space<vmem_shared>>) offsets(%arg18 : memref<64xi32, #tpu.memory_space<vmem>>) semaphore(%arg30 : memref<!tpu.dma_semaphore, #tpu.memory_space<semaphore_mem>>) {add = true}
      %dma_wait3A_192 = arith.constant 0 : i32
      %dma_wait3A_193 = arith.constant 0 : i32
      %dma_wait3A_194 = tpu.memref_slice %arg5[%dma_wait3A_192, %dma_wait3A_193] : memref<10000x128xf32, #tpu.memory_space<vmem_shared>> -> memref<10000x128xf32, #tpu.memory_space<vmem_shared>>
      tpu.wait_indirect_dma semaphore(%arg29 : memref<!tpu.dma_semaphore, #tpu.memory_space<semaphore_mem>>) src(%arg8 : memref<64x128xf32, #tpu.memory_space<vmem>>) dst(%dma_wait3A_194 : memref<10000x128xf32, #tpu.memory_space<vmem_shared>>)
      %lt3A_195 = arith.constant 38 : i32
      %lt3A_196 = arith.cmpi slt, %scan3A_80, %lt3A_195 : i32
      %convert_element_type3A_197 = arith.extui %lt3A_196 : i1 to i32
      %cond3A_198 = arith.constant 0 : i32
      %cond3A_199 = arith.cmpi ne, %convert_element_type3A_197, %cond3A_198 : i32
      scf.if %cond3A_199 {
        %add3A_200 = arith.constant 3 : i32
        %add3A_201 = arith.addi %add3A_177, %add3A_200 : i32
        %mul3A_202 = arith.constant 64 : i32
        %mul3A_203 = arith.muli %add3A_201, %mul3A_202 : i32
        %dma_start3A_204 = tpu.memref_slice %arg10[%mul3A_203] : memref<9984xi32, #tpu.memory_space<vmem>> -> memref<64xi32, #tpu.memory_space<vmem>>
        %dma_start3A_205 = arith.constant 0 : i32
        %dma_start3A_206 = arith.constant 0 : i32
        %dma_start3A_207 = tpu.memref_slice %arg2[%arg0, %dma_start3A_205, %dma_start3A_206] : memref<2x10000x128xf32, #tpu.memory_space<hbm>> -> memref<1x10000x128xf32, #tpu.memory_space<hbm>>
        %dma_start3A_208 = tpu.memref_squeeze %dma_start3A_207 : memref<1x10000x128xf32, #tpu.memory_space<hbm>> -> memref<10000x128xf32, #tpu.memory_space<hbm>>
        %dma_start3A_209 = arith.constant 0 : i32
        %dma_start3A_210 = arith.constant 0 : i32
        %dma_start3A_211 = tpu.memref_slice %dma_start3A_208[%dma_start3A_209, %dma_start3A_210] : memref<10000x128xf32, #tpu.memory_space<hbm>> -> memref<10000x128xf32, #tpu.memory_space<hbm>>
        tpu.enqueue_indirect_dma source(%dma_start3A_211 : memref<10000x128xf32, #tpu.memory_space<hbm>>) target(%arg8 : memref<64x128xf32, #tpu.memory_space<vmem>>) offsets(%dma_start3A_204 : memref<64xi32, #tpu.memory_space<vmem>>) semaphore(%arg21 : memref<!tpu.dma_semaphore, #tpu.memory_space<semaphore_mem>>)
        %add3A_212 = arith.addi %mul3A_3, %add3A_201 : i32
        %mul3A_213 = arith.constant 64 : i32
        %mul3A_214 = arith.muli %add3A_212, %mul3A_213 : i32
        %add3A_215 = arith.constant 160000 : i32
        %add3A_216 = arith.addi %add3A_215, %mul3A_214 : i32
        %dma_start3A_217 = tpu.memref_slice %arg3[%add3A_216] : memref<320000xi32, #tpu.memory_space<hbm>> -> memref<64xi32, #tpu.memory_space<hbm>>
        %dma_start3A_218 = tpu.memref_slice %arg3[%add3A_216] : memref<320000xi32, #tpu.memory_space<hbm>> -> memref<64xi32, #tpu.memory_space<hbm>>
        tpu.enqueue_dma source(%dma_start3A_218 : memref<64xi32, #tpu.memory_space<hbm>>) target(%arg17 : memref<64xi32, #tpu.memory_space<vmem>>) target_semaphore(%arg25 : memref<!tpu.dma_semaphore, #tpu.memory_space<semaphore_mem>>)
      } else {
      }
    }
    %scan3A_64 = arith.constant 39 : i32
    %dma_wait3A = arith.constant 0 : i32
    %dma_wait3A_65 = arith.constant 0 : i32
    %dma_wait3A_66 = tpu.memref_slice %arg5[%dma_wait3A, %dma_wait3A_65] : memref<10000x128xf32, #tpu.memory_space<vmem_shared>> -> memref<10000x128xf32, #tpu.memory_space<vmem_shared>>
    tpu.wait_indirect_dma semaphore(%arg30 : memref<!tpu.dma_semaphore, #tpu.memory_space<semaphore_mem>>) src(%arg9 : memref<64x128xf32, #tpu.memory_space<vmem>>) dst(%dma_wait3A_66 : memref<10000x128xf32, #tpu.memory_space<vmem_shared>>)
    %lt3A = arith.constant 4 : i32
    %lt3A_67 = arith.cmpi slt, %arg1, %lt3A : i32
    %convert_element_type3A_68 = arith.extui %lt3A_67 : i1 to i32
    %cond3A_69 = arith.constant 0 : i32
    %cond3A_70 = arith.cmpi ne, %convert_element_type3A_68, %cond3A_69 : i32
    scf.if %cond3A_70 {
      %add3A_80 = arith.constant 2496 : i32
      %add3A_81 = arith.addi %add3A_80, %arg1 : i32
      %mul3A_82 = arith.constant 64 : i32
      %mul3A_83 = arith.muli %add3A_81, %mul3A_82 : i32
      "tpu.region"() ({
        %run_scoped3A = tpu.sem_alloc : memref<!tpu.dma_semaphore, #tpu.memory_space<semaphore_mem>>
        %dma_start3A_104 = tpu.memref_slice %arg3[%mul3A_83] : memref<320000xi32, #tpu.memory_space<hbm>> -> memref<64xi32, #tpu.memory_space<hbm>>
        %dma_start3A_105 = tpu.memref_slice %arg3[%mul3A_83] : memref<320000xi32, #tpu.memory_space<hbm>> -> memref<64xi32, #tpu.memory_space<hbm>>
        tpu.enqueue_dma source(%dma_start3A_105 : memref<64xi32, #tpu.memory_space<hbm>>) target(%arg11 : memref<64xi32, #tpu.memory_space<vmem>>) target_semaphore(%run_scoped3A : memref<!tpu.dma_semaphore, #tpu.memory_space<semaphore_mem>>)
        %dma_wait3A_106 = tpu.memref_slice %arg3[%mul3A_83] : memref<320000xi32, #tpu.memory_space<hbm>> -> memref<64xi32, #tpu.memory_space<hbm>>
        %dma_wait3A_107 = tpu.memref_slice %arg3[%mul3A_83] : memref<320000xi32, #tpu.memory_space<hbm>> -> memref<64xi32, #tpu.memory_space<hbm>>
        tpu.wait_dma2 semaphore(%run_scoped3A : memref<!tpu.dma_semaphore, #tpu.memory_space<semaphore_mem>>) src(%dma_wait3A_107 : memref<64xi32, #tpu.memory_space<hbm>>) dst(%arg11 : memref<64xi32, #tpu.memory_space<vmem>>)
        tpu.yield
      }) : () -> ()
      %add3A_84 = arith.constant 2496 : i32
      %add3A_85 = arith.addi %add3A_84, %arg1 : i32
      %mul3A_86 = arith.constant 64 : i32
      %mul3A_87 = arith.muli %add3A_85, %mul3A_86 : i32
      %add3A_88 = arith.constant 160000 : i32
      %add3A_89 = arith.addi %add3A_88, %mul3A_87 : i32
      "tpu.region"() ({
        %run_scoped3A = tpu.sem_alloc : memref<!tpu.dma_semaphore, #tpu.memory_space<semaphore_mem>>
        %dma_start3A_104 = tpu.memref_slice %arg3[%add3A_89] : memref<320000xi32, #tpu.memory_space<hbm>> -> memref<64xi32, #tpu.memory_space<hbm>>
        %dma_start3A_105 = tpu.memref_slice %arg3[%add3A_89] : memref<320000xi32, #tpu.memory_space<hbm>> -> memref<64xi32, #tpu.memory_space<hbm>>
        tpu.enqueue_dma source(%dma_start3A_105 : memref<64xi32, #tpu.memory_space<hbm>>) target(%arg15 : memref<64xi32, #tpu.memory_space<vmem>>) target_semaphore(%run_scoped3A : memref<!tpu.dma_semaphore, #tpu.memory_space<semaphore_mem>>)
        %dma_wait3A_106 = tpu.memref_slice %arg3[%add3A_89] : memref<320000xi32, #tpu.memory_space<hbm>> -> memref<64xi32, #tpu.memory_space<hbm>>
        %dma_wait3A_107 = tpu.memref_slice %arg3[%add3A_89] : memref<320000xi32, #tpu.memory_space<hbm>> -> memref<64xi32, #tpu.memory_space<hbm>>
        tpu.wait_dma2 semaphore(%run_scoped3A : memref<!tpu.dma_semaphore, #tpu.memory_space<semaphore_mem>>) src(%dma_wait3A_107 : memref<64xi32, #tpu.memory_space<hbm>>) dst(%arg15 : memref<64xi32, #tpu.memory_space<vmem>>)
        tpu.yield
      }) : () -> ()
      %dma_start3A_90 = arith.constant 0 : i32
      %dma_start3A_91 = arith.constant 0 : i32
      %dma_start3A_92 = tpu.memref_slice %arg2[%arg0, %dma_start3A_90, %dma_start3A_91] : memref<2x10000x128xf32, #tpu.memory_space<hbm>> -> memref<1x10000x128xf32, #tpu.memory_space<hbm>>
      %dma_start3A_93 = tpu.memref_squeeze %dma_start3A_92 : memref<1x10000x128xf32, #tpu.memory_space<hbm>> -> memref<10000x128xf32, #tpu.memory_space<hbm>>
      %dma_start3A_94 = arith.constant 0 : i32
      %dma_start3A_95 = arith.constant 0 : i32
      %dma_start3A_96 = tpu.memref_slice %dma_start3A_93[%dma_start3A_94, %dma_start3A_95] : memref<10000x128xf32, #tpu.memory_space<hbm>> -> memref<10000x128xf32, #tpu.memory_space<hbm>>
      tpu.enqueue_indirect_dma source(%dma_start3A_96 : memref<10000x128xf32, #tpu.memory_space<hbm>>) target(%arg6 : memref<64x128xf32, #tpu.memory_space<vmem>>) offsets(%arg11 : memref<64xi32, #tpu.memory_space<vmem>>) semaphore(%arg19 : memref<!tpu.dma_semaphore, #tpu.memory_space<semaphore_mem>>)
      %dma_wait3A_97 = arith.constant 0 : i32
      %dma_wait3A_98 = arith.constant 0 : i32
      %dma_wait3A_99 = tpu.memref_slice %arg2[%arg0, %dma_wait3A_97, %dma_wait3A_98] : memref<2x10000x128xf32, #tpu.memory_space<hbm>> -> memref<1x10000x128xf32, #tpu.memory_space<hbm>>
      %dma_wait3A_100 = tpu.memref_squeeze %dma_wait3A_99 : memref<1x10000x128xf32, #tpu.memory_space<hbm>> -> memref<10000x128xf32, #tpu.memory_space<hbm>>
      %dma_wait3A_101 = arith.constant 0 : i32
      %dma_wait3A_102 = arith.constant 0 : i32
      %dma_wait3A_103 = tpu.memref_slice %dma_wait3A_100[%dma_wait3A_101, %dma_wait3A_102] : memref<10000x128xf32, #tpu.memory_space<hbm>> -> memref<10000x128xf32, #tpu.memory_space<hbm>>
      tpu.wait_indirect_dma semaphore(%arg19 : memref<!tpu.dma_semaphore, #tpu.memory_space<semaphore_mem>>) src(%dma_wait3A_103 : memref<10000x128xf32, #tpu.memory_space<hbm>>) dst(%arg6 : memref<64x128xf32, #tpu.memory_space<vmem>>)
      "tpu.region"() ({
        %run_scoped3A = tpu.sem_alloc : memref<!tpu.dma_semaphore, #tpu.memory_space<semaphore_mem>>
        %dma_start3A_104 = arith.constant 0 : i32
        %dma_start3A_105 = arith.constant 0 : i32
        %dma_start3A_106 = tpu.memref_slice %arg5[%dma_start3A_104, %dma_start3A_105] : memref<10000x128xf32, #tpu.memory_space<vmem_shared>> -> memref<10000x128xf32, #tpu.memory_space<vmem_shared>>
        tpu.enqueue_indirect_dma source(%arg6 : memref<64x128xf32, #tpu.memory_space<vmem>>) target(%dma_start3A_106 : memref<10000x128xf32, #tpu.memory_space<vmem_shared>>) offsets(%arg15 : memref<64xi32, #tpu.memory_space<vmem>>) semaphore(%run_scoped3A : memref<!tpu.dma_semaphore, #tpu.memory_space<semaphore_mem>>) {add = true}
        %dma_wait3A_107 = arith.constant 0 : i32
        %dma_wait3A_108 = arith.constant 0 : i32
        %dma_wait3A_109 = tpu.memref_slice %arg5[%dma_wait3A_107, %dma_wait3A_108] : memref<10000x128xf32, #tpu.memory_space<vmem_shared>> -> memref<10000x128xf32, #tpu.memory_space<vmem_shared>>
        tpu.wait_indirect_dma semaphore(%run_scoped3A : memref<!tpu.dma_semaphore, #tpu.memory_space<semaphore_mem>>) src(%arg6 : memref<64x128xf32, #tpu.memory_space<vmem>>) dst(%dma_wait3A_109 : memref<10000x128xf32, #tpu.memory_space<vmem_shared>>)
        tpu.yield
      }) : () -> ()
    } else {
    }
    %barrier3A_71 = arith.constant 0 : index
    tpu.barrier barrier_id(%barrier3A_71)
    %not3A_72 = arith.constant true
    %not3A_73 = arith.xori %eq3A_1, %not3A_72 : i1
    %convert_element_type3A_74 = arith.extui %not3A_73 : i1 to i32
    %cond3A_75 = arith.constant 0 : i32
    %cond3A_76 = arith.cmpi ne, %convert_element_type3A_74, %cond3A_75 : i32
    scf.if %cond3A_76 {
      "tpu.region"() ({
        %run_scoped3A = tpu.sem_alloc : memref<!tpu.dma_semaphore, #tpu.memory_space<semaphore_mem>>
        %dma_start3A_80 = arith.constant 0 : i32
        %dma_start3A_81 = tpu.memref_slice %arg4[%arg0, %mul3A_0, %dma_start3A_80] : memref<2x10000x128xf32, #tpu.memory_space<hbm>> -> memref<1x640x128xf32, #tpu.memory_space<hbm>>
        %dma_start3A_82 = tpu.memref_squeeze %dma_start3A_81 : memref<1x640x128xf32, #tpu.memory_space<hbm>> -> memref<640x128xf32, #tpu.memory_space<hbm>>
        %dma_start3A_83 = arith.constant 0 : i32
        %dma_start3A_84 = tpu.memref_slice %arg5[%mul3A_0, %dma_start3A_83] : memref<10000x128xf32, #tpu.memory_space<vmem_shared>> -> memref<640x128xf32, #tpu.memory_space<vmem_shared>>
        tpu.enqueue_dma source(%dma_start3A_84 : memref<640x128xf32, #tpu.memory_space<vmem_shared>>) target(%dma_start3A_82 : memref<640x128xf32, #tpu.memory_space<hbm>>) target_semaphore(%run_scoped3A : memref<!tpu.dma_semaphore, #tpu.memory_space<semaphore_mem>>)
        %dma_wait3A_85 = arith.constant 0 : i32
        %dma_wait3A_86 = tpu.memref_slice %arg4[%arg0, %mul3A_0, %dma_wait3A_85] : memref<2x10000x128xf32, #tpu.memory_space<hbm>> -> memref<1x640x128xf32, #tpu.memory_space<hbm>>
        %dma_wait3A_87 = tpu.memref_squeeze %dma_wait3A_86 : memref<1x640x128xf32, #tpu.memory_space<hbm>> -> memref<640x128xf32, #tpu.memory_space<hbm>>
        %dma_wait3A_88 = arith.constant 0 : i32
        %dma_wait3A_89 = tpu.memref_slice %arg5[%mul3A_0, %dma_wait3A_88] : memref<10000x128xf32, #tpu.memory_space<vmem_shared>> -> memref<640x128xf32, #tpu.memory_space<vmem_shared>>
        tpu.wait_dma2 semaphore(%run_scoped3A : memref<!tpu.dma_semaphore, #tpu.memory_space<semaphore_mem>>) src(%dma_wait3A_89 : memref<640x128xf32, #tpu.memory_space<vmem_shared>>) dst(%dma_wait3A_87 : memref<640x128xf32, #tpu.memory_space<hbm>>)
        tpu.yield
      }) : () -> ()
    } else {
    }
    %convert_element_type3A_77 = arith.extui %eq3A_1 : i1 to i32
    %cond3A_78 = arith.constant 0 : i32
    %cond3A_79 = arith.cmpi ne, %convert_element_type3A_77, %cond3A_78 : i32
    scf.if %cond3A_79 {
      "tpu.region"() ({
        %run_scoped3A = tpu.sem_alloc : memref<!tpu.dma_semaphore, #tpu.memory_space<semaphore_mem>>
        %dma_start3A_80 = arith.constant 0 : i32
        %dma_start3A_81 = tpu.memref_slice %arg4[%arg0, %mul3A_0, %dma_start3A_80] : memref<2x10000x128xf32, #tpu.memory_space<hbm>> -> memref<1x400x128xf32, #tpu.memory_space<hbm>>
        %dma_start3A_82 = tpu.memref_squeeze %dma_start3A_81 : memref<1x400x128xf32, #tpu.memory_space<hbm>> -> memref<400x128xf32, #tpu.memory_space<hbm>>
        %dma_start3A_83 = arith.constant 0 : i32
        %dma_start3A_84 = tpu.memref_slice %arg5[%mul3A_0, %dma_start3A_83] : memref<10000x128xf32, #tpu.memory_space<vmem_shared>> -> memref<400x128xf32, #tpu.memory_space<vmem_shared>>
        tpu.enqueue_dma source(%dma_start3A_84 : memref<400x128xf32, #tpu.memory_space<vmem_shared>>) target(%dma_start3A_82 : memref<400x128xf32, #tpu.memory_space<hbm>>) target_semaphore(%run_scoped3A : memref<!tpu.dma_semaphore, #tpu.memory_space<semaphore_mem>>)
        %dma_wait3A_85 = arith.constant 0 : i32
        %dma_wait3A_86 = tpu.memref_slice %arg4[%arg0, %mul3A_0, %dma_wait3A_85] : memref<2x10000x128xf32, #tpu.memory_space<hbm>> -> memref<1x400x128xf32, #tpu.memory_space<hbm>>
        %dma_wait3A_87 = tpu.memref_squeeze %dma_wait3A_86 : memref<1x400x128xf32, #tpu.memory_space<hbm>> -> memref<400x128xf32, #tpu.memory_space<hbm>>
        %dma_wait3A_88 = arith.constant 0 : i32
        %dma_wait3A_89 = tpu.memref_slice %arg5[%mul3A_0, %dma_wait3A_88] : memref<10000x128xf32, #tpu.memory_space<vmem_shared>> -> memref<400x128xf32, #tpu.memory_space<vmem_shared>>
        tpu.wait_dma2 semaphore(%run_scoped3A : memref<!tpu.dma_semaphore, #tpu.memory_space<semaphore_mem>>) src(%dma_wait3A_89 : memref<400x128xf32, #tpu.memory_space<vmem_shared>>) dst(%dma_wait3A_87 : memref<400x128xf32, #tpu.memory_space<hbm>>)
        tpu.yield
      }) : () -> ()
    } else {
    }
    return
  }
}

#map = affine_map<(d0, d1) -> (0)>
module attributes {stable_mosaic.version = 14 : i64} {
  func.func @k(%arg0: i32, %arg1: i32, %arg2: memref<320000xi32, #tpu.memory_space<hbm>>, %arg3: memref<20000xf32, #tpu.memory_space<hbm>>, %arg4: memref<10240xf32, #tpu.memory_space<vmem_shared>>, %arg5: memref<640xf32, #tpu.memory_space<vmem>>, %arg6: memref<64xf32, #tpu.memory_space<vmem>>, %arg7: memref<4992xi32, #tpu.memory_space<vmem>>, %arg8: memref<64xi32, #tpu.memory_space<vmem>>, %arg9: memref<64xi32, #tpu.memory_space<vmem>>, %arg10: memref<!tpu.dma_semaphore, #tpu.memory_space<semaphore_mem>>, %arg11: memref<!tpu.dma_semaphore, #tpu.memory_space<semaphore_mem>>) attributes {dimension_semantics = [#tpu.dimension_semantics<core_parallel>, #tpu.dimension_semantics<subcore_parallel>], iteration_bounds = array<i64: 2, 16>, scalar_prefetch = 0 : i64, scratch_operands = 8 : i64, tpu.core_type = #tpu.core_type<sc_vector_subcore>, window_params = [{transform_indices = #map}, {transform_indices = #map}]} {
    %mul3A = arith.constant 640 : i32
    %mul3A_0 = arith.muli %arg1, %mul3A : i32
    %eq3A = arith.constant 15 : i32
    %eq3A_1 = arith.cmpi eq, %arg1, %eq3A : i32
    %mul3A_2 = arith.constant 16 : i32
    %mul3A_3 = arith.muli %arg0, %mul3A_2 : i32
    %add3A = arith.addi %mul3A_3, %arg1 : i32
    %mul3A_4 = arith.constant 78 : i32
    %mul3A_5 = arith.muli %add3A, %mul3A_4 : i32
    %mul3A_6 = arith.constant 64 : i32
    %mul3A_7 = arith.muli %mul3A_5, %mul3A_6 : i32
    %add3A_8 = arith.constant 160000 : i32
    %add3A_9 = arith.addi %add3A_8, %mul3A_7 : i32
    "tpu.region"() ({
      %run_scoped3A = tpu.sem_alloc : memref<!tpu.dma_semaphore, #tpu.memory_space<semaphore_mem>>
      %dma_start3A_344 = tpu.memref_slice %arg2[%add3A_9] : memref<320000xi32, #tpu.memory_space<hbm>> -> memref<4992xi32, #tpu.memory_space<hbm>>
      %dma_start3A_345 = tpu.memref_slice %arg2[%add3A_9] : memref<320000xi32, #tpu.memory_space<hbm>> -> memref<4992xi32, #tpu.memory_space<hbm>>
      tpu.enqueue_dma source(%dma_start3A_345 : memref<4992xi32, #tpu.memory_space<hbm>>) target(%arg7 : memref<4992xi32, #tpu.memory_space<vmem>>) target_semaphore(%run_scoped3A : memref<!tpu.dma_semaphore, #tpu.memory_space<semaphore_mem>>)
      %dma_wait3A_346 = tpu.memref_slice %arg2[%add3A_9] : memref<320000xi32, #tpu.memory_space<hbm>> -> memref<4992xi32, #tpu.memory_space<hbm>>
      %dma_wait3A_347 = tpu.memref_slice %arg2[%add3A_9] : memref<320000xi32, #tpu.memory_space<hbm>> -> memref<4992xi32, #tpu.memory_space<hbm>>
      tpu.wait_dma2 semaphore(%run_scoped3A : memref<!tpu.dma_semaphore, #tpu.memory_space<semaphore_mem>>) src(%dma_wait3A_347 : memref<4992xi32, #tpu.memory_space<hbm>>) dst(%arg7 : memref<4992xi32, #tpu.memory_space<vmem>>)
      tpu.yield
    }) : () -> ()
    %broadcast_in_dim3A = arith.constant 1.000000e+00 : f32
    %broadcast_in_dim3A_10 = vector.broadcast %broadcast_in_dim3A : f32 to vector<16xf32>
    %swap3A = arith.constant 0 : index
    %swap3A_11 = tpu.vector_load %arg6[%swap3A] {strides = array<i32>} : memref<64xf32, #tpu.memory_space<vmem>>, vector<16xf32>,
    %swap3A_12 = vector.shape_cast %swap3A_11 : vector<16xf32> to vector<16xf32>
    %swap3A_13 = vector.shape_cast %broadcast_in_dim3A_10 : vector<16xf32> to vector<16xf32>
    tpu.vector_store %arg6[%swap3A], %swap3A_13 {strides = array<i32>} : memref<64xf32, #tpu.memory_space<vmem>>, vector<16xf32>,
    %broadcast_in_dim3A_14 = arith.constant 1.000000e+00 : f32
    %broadcast_in_dim3A_15 = vector.broadcast %broadcast_in_dim3A_14 : f32 to vector<16xf32>
    %swap3A_16 = arith.constant 16 : index
    %swap3A_17 = tpu.vector_load %arg6[%swap3A_16] {strides = array<i32>} : memref<64xf32, #tpu.memory_space<vmem>>, vector<16xf32>,
    %swap3A_18 = vector.shape_cast %swap3A_17 : vector<16xf32> to vector<16xf32>
    %swap3A_19 = vector.shape_cast %broadcast_in_dim3A_15 : vector<16xf32> to vector<16xf32>
    tpu.vector_store %arg6[%swap3A_16], %swap3A_19 {strides = array<i32>} : memref<64xf32, #tpu.memory_space<vmem>>, vector<16xf32>,
    %broadcast_in_dim3A_20 = arith.constant 1.000000e+00 : f32
    %broadcast_in_dim3A_21 = vector.broadcast %broadcast_in_dim3A_20 : f32 to vector<16xf32>
    %swap3A_22 = arith.constant 32 : index
    %swap3A_23 = tpu.vector_load %arg6[%swap3A_22] {strides = array<i32>} : memref<64xf32, #tpu.memory_space<vmem>>, vector<16xf32>,
    %swap3A_24 = vector.shape_cast %swap3A_23 : vector<16xf32> to vector<16xf32>
    %swap3A_25 = vector.shape_cast %broadcast_in_dim3A_21 : vector<16xf32> to vector<16xf32>
    tpu.vector_store %arg6[%swap3A_22], %swap3A_25 {strides = array<i32>} : memref<64xf32, #tpu.memory_space<vmem>>, vector<16xf32>,
    %broadcast_in_dim3A_26 = arith.constant 1.000000e+00 : f32
    %broadcast_in_dim3A_27 = vector.broadcast %broadcast_in_dim3A_26 : f32 to vector<16xf32>
    %swap3A_28 = arith.constant 48 : index
    %swap3A_29 = tpu.vector_load %arg6[%swap3A_28] {strides = array<i32>} : memref<64xf32, #tpu.memory_space<vmem>>, vector<16xf32>,
    %swap3A_30 = vector.shape_cast %swap3A_29 : vector<16xf32> to vector<16xf32>
    %swap3A_31 = vector.shape_cast %broadcast_in_dim3A_27 : vector<16xf32> to vector<16xf32>
    tpu.vector_store %arg6[%swap3A_28], %swap3A_31 {strides = array<i32>} : memref<64xf32, #tpu.memory_space<vmem>>, vector<16xf32>,
    %broadcast_in_dim3A_32 = arith.constant 0.000000e+00 : f32
    %broadcast_in_dim3A_33 = vector.broadcast %broadcast_in_dim3A_32 : f32 to vector<16xf32>
    %swap3A_34 = arith.constant 0 : index
    %swap3A_35 = tpu.vector_load %arg5[%swap3A_34] {strides = array<i32>} : memref<640xf32, #tpu.memory_space<vmem>>, vector<16xf32>,
    %swap3A_36 = vector.shape_cast %swap3A_35 : vector<16xf32> to vector<16xf32>
    %swap3A_37 = vector.shape_cast %broadcast_in_dim3A_33 : vector<16xf32> to vector<16xf32>
    tpu.vector_store %arg5[%swap3A_34], %swap3A_37 {strides = array<i32>} : memref<640xf32, #tpu.memory_space<vmem>>, vector<16xf32>,
    %broadcast_in_dim3A_38 = arith.constant 0.000000e+00 : f32
    %broadcast_in_dim3A_39 = vector.broadcast %broadcast_in_dim3A_38 : f32 to vector<16xf32>
    %swap3A_40 = arith.constant 16 : index
    %swap3A_41 = tpu.vector_load %arg5[%swap3A_40] {strides = array<i32>} : memref<640xf32, #tpu.memory_space<vmem>>, vector<16xf32>,
    %swap3A_42 = vector.shape_cast %swap3A_41 : vector<16xf32> to vector<16xf32>
    %swap3A_43 = vector.shape_cast %broadcast_in_dim3A_39 : vector<16xf32> to vector<16xf32>
    tpu.vector_store %arg5[%swap3A_40], %swap3A_43 {strides = array<i32>} : memref<640xf32, #tpu.memory_space<vmem>>, vector<16xf32>,
    %broadcast_in_dim3A_44 = arith.constant 0.000000e+00 : f32
    %broadcast_in_dim3A_45 = vector.broadcast %broadcast_in_dim3A_44 : f32 to vector<16xf32>
    %swap3A_46 = arith.constant 32 : index
    %swap3A_47 = tpu.vector_load %arg5[%swap3A_46] {strides = array<i32>} : memref<640xf32, #tpu.memory_space<vmem>>, vector<16xf32>,
    %swap3A_48 = vector.shape_cast %swap3A_47 : vector<16xf32> to vector<16xf32>
    %swap3A_49 = vector.shape_cast %broadcast_in_dim3A_45 : vector<16xf32> to vector<16xf32>
    tpu.vector_store %arg5[%swap3A_46], %swap3A_49 {strides = array<i32>} : memref<640xf32, #tpu.memory_space<vmem>>, vector<16xf32>,
    %broadcast_in_dim3A_50 = arith.constant 0.000000e+00 : f32
    %broadcast_in_dim3A_51 = vector.broadcast %broadcast_in_dim3A_50 : f32 to vector<16xf32>
    %swap3A_52 = arith.constant 48 : index
    %swap3A_53 = tpu.vector_load %arg5[%swap3A_52] {strides = array<i32>} : memref<640xf32, #tpu.memory_space<vmem>>, vector<16xf32>,
    %swap3A_54 = vector.shape_cast %swap3A_53 : vector<16xf32> to vector<16xf32>
    %swap3A_55 = vector.shape_cast %broadcast_in_dim3A_51 : vector<16xf32> to vector<16xf32>
    tpu.vector_store %arg5[%swap3A_52], %swap3A_55 {strides = array<i32>} : memref<640xf32, #tpu.memory_space<vmem>>, vector<16xf32>,
    %broadcast_in_dim3A_56 = arith.constant 0.000000e+00 : f32
    %broadcast_in_dim3A_57 = vector.broadcast %broadcast_in_dim3A_56 : f32 to vector<16xf32>
    %swap3A_58 = arith.constant 64 : index
    %swap3A_59 = tpu.vector_load %arg5[%swap3A_58] {strides = array<i32>} : memref<640xf32, #tpu.memory_space<vmem>>, vector<16xf32>,
    %swap3A_60 = vector.shape_cast %swap3A_59 : vector<16xf32> to vector<16xf32>
    %swap3A_61 = vector.shape_cast %broadcast_in_dim3A_57 : vector<16xf32> to vector<16xf32>
    tpu.vector_store %arg5[%swap3A_58], %swap3A_61 {strides = array<i32>} : memref<640xf32, #tpu.memory_space<vmem>>, vector<16xf32>,
    %broadcast_in_dim3A_62 = arith.constant 0.000000e+00 : f32
    %broadcast_in_dim3A_63 = vector.broadcast %broadcast_in_dim3A_62 : f32 to vector<16xf32>
    %swap3A_64 = arith.constant 80 : index
    %swap3A_65 = tpu.vector_load %arg5[%swap3A_64] {strides = array<i32>} : memref<640xf32, #tpu.memory_space<vmem>>, vector<16xf32>,
    %swap3A_66 = vector.shape_cast %swap3A_65 : vector<16xf32> to vector<16xf32>
    %swap3A_67 = vector.shape_cast %broadcast_in_dim3A_63 : vector<16xf32> to vector<16xf32>
    tpu.vector_store %arg5[%swap3A_64], %swap3A_67 {strides = array<i32>} : memref<640xf32, #tpu.memory_space<vmem>>, vector<16xf32>,
    %broadcast_in_dim3A_68 = arith.constant 0.000000e+00 : f32
    %broadcast_in_dim3A_69 = vector.broadcast %broadcast_in_dim3A_68 : f32 to vector<16xf32>
    %swap3A_70 = arith.constant 96 : index
    %swap3A_71 = tpu.vector_load %arg5[%swap3A_70] {strides = array<i32>} : memref<640xf32, #tpu.memory_space<vmem>>, vector<16xf32>,
    %swap3A_72 = vector.shape_cast %swap3A_71 : vector<16xf32> to vector<16xf32>
    %swap3A_73 = vector.shape_cast %broadcast_in_dim3A_69 : vector<16xf32> to vector<16xf32>
    tpu.vector_store %arg5[%swap3A_70], %swap3A_73 {strides = array<i32>} : memref<640xf32, #tpu.memory_space<vmem>>, vector<16xf32>,
    %broadcast_in_dim3A_74 = arith.constant 0.000000e+00 : f32
    %broadcast_in_dim3A_75 = vector.broadcast %broadcast_in_dim3A_74 : f32 to vector<16xf32>
    %swap3A_76 = arith.constant 112 : index
    %swap3A_77 = tpu.vector_load %arg5[%swap3A_76] {strides = array<i32>} : memref<640xf32, #tpu.memory_space<vmem>>, vector<16xf32>,
    %swap3A_78 = vector.shape_cast %swap3A_77 : vector<16xf32> to vector<16xf32>
    %swap3A_79 = vector.shape_cast %broadcast_in_dim3A_75 : vector<16xf32> to vector<16xf32>
    tpu.vector_store %arg5[%swap3A_76], %swap3A_79 {strides = array<i32>} : memref<640xf32, #tpu.memory_space<vmem>>, vector<16xf32>,
    %broadcast_in_dim3A_80 = arith.constant 0.000000e+00 : f32
    %broadcast_in_dim3A_81 = vector.broadcast %broadcast_in_dim3A_80 : f32 to vector<16xf32>
    %swap3A_82 = arith.constant 128 : index
    %swap3A_83 = tpu.vector_load %arg5[%swap3A_82] {strides = array<i32>} : memref<640xf32, #tpu.memory_space<vmem>>, vector<16xf32>,
    %swap3A_84 = vector.shape_cast %swap3A_83 : vector<16xf32> to vector<16xf32>
    %swap3A_85 = vector.shape_cast %broadcast_in_dim3A_81 : vector<16xf32> to vector<16xf32>
    tpu.vector_store %arg5[%swap3A_82], %swap3A_85 {strides = array<i32>} : memref<640xf32, #tpu.memory_space<vmem>>, vector<16xf32>,
    %broadcast_in_dim3A_86 = arith.constant 0.000000e+00 : f32
    %broadcast_in_dim3A_87 = vector.broadcast %broadcast_in_dim3A_86 : f32 to vector<16xf32>
    %swap3A_88 = arith.constant 144 : index
    %swap3A_89 = tpu.vector_load %arg5[%swap3A_88] {strides = array<i32>} : memref<640xf32, #tpu.memory_space<vmem>>, vector<16xf32>,
    %swap3A_90 = vector.shape_cast %swap3A_89 : vector<16xf32> to vector<16xf32>
    %swap3A_91 = vector.shape_cast %broadcast_in_dim3A_87 : vector<16xf32> to vector<16xf32>
    tpu.vector_store %arg5[%swap3A_88], %swap3A_91 {strides = array<i32>} : memref<640xf32, #tpu.memory_space<vmem>>, vector<16xf32>,
    %broadcast_in_dim3A_92 = arith.constant 0.000000e+00 : f32
    %broadcast_in_dim3A_93 = vector.broadcast %broadcast_in_dim3A_92 : f32 to vector<16xf32>
    %swap3A_94 = arith.constant 160 : index
    %swap3A_95 = tpu.vector_load %arg5[%swap3A_94] {strides = array<i32>} : memref<640xf32, #tpu.memory_space<vmem>>, vector<16xf32>,
    %swap3A_96 = vector.shape_cast %swap3A_95 : vector<16xf32> to vector<16xf32>
    %swap3A_97 = vector.shape_cast %broadcast_in_dim3A_93 : vector<16xf32> to vector<16xf32>
    tpu.vector_store %arg5[%swap3A_94], %swap3A_97 {strides = array<i32>} : memref<640xf32, #tpu.memory_space<vmem>>, vector<16xf32>,
    %broadcast_in_dim3A_98 = arith.constant 0.000000e+00 : f32
    %broadcast_in_dim3A_99 = vector.broadcast %broadcast_in_dim3A_98 : f32 to vector<16xf32>
    %swap3A_100 = arith.constant 176 : index
    %swap3A_101 = tpu.vector_load %arg5[%swap3A_100] {strides = array<i32>} : memref<640xf32, #tpu.memory_space<vmem>>, vector<16xf32>,
    %swap3A_102 = vector.shape_cast %swap3A_101 : vector<16xf32> to vector<16xf32>
    %swap3A_103 = vector.shape_cast %broadcast_in_dim3A_99 : vector<16xf32> to vector<16xf32>
    tpu.vector_store %arg5[%swap3A_100], %swap3A_103 {strides = array<i32>} : memref<640xf32, #tpu.memory_space<vmem>>, vector<16xf32>,
    %broadcast_in_dim3A_104 = arith.constant 0.000000e+00 : f32
    %broadcast_in_dim3A_105 = vector.broadcast %broadcast_in_dim3A_104 : f32 to vector<16xf32>
    %swap3A_106 = arith.constant 192 : index
    %swap3A_107 = tpu.vector_load %arg5[%swap3A_106] {strides = array<i32>} : memref<640xf32, #tpu.memory_space<vmem>>, vector<16xf32>,
    %swap3A_108 = vector.shape_cast %swap3A_107 : vector<16xf32> to vector<16xf32>
    %swap3A_109 = vector.shape_cast %broadcast_in_dim3A_105 : vector<16xf32> to vector<16xf32>
    tpu.vector_store %arg5[%swap3A_106], %swap3A_109 {strides = array<i32>} : memref<640xf32, #tpu.memory_space<vmem>>, vector<16xf32>,
    %broadcast_in_dim3A_110 = arith.constant 0.000000e+00 : f32
    %broadcast_in_dim3A_111 = vector.broadcast %broadcast_in_dim3A_110 : f32 to vector<16xf32>
    %swap3A_112 = arith.constant 208 : index
    %swap3A_113 = tpu.vector_load %arg5[%swap3A_112] {strides = array<i32>} : memref<640xf32, #tpu.memory_space<vmem>>, vector<16xf32>,
    %swap3A_114 = vector.shape_cast %swap3A_113 : vector<16xf32> to vector<16xf32>
    %swap3A_115 = vector.shape_cast %broadcast_in_dim3A_111 : vector<16xf32> to vector<16xf32>
    tpu.vector_store %arg5[%swap3A_112], %swap3A_115 {strides = array<i32>} : memref<640xf32, #tpu.memory_space<vmem>>, vector<16xf32>,
    %broadcast_in_dim3A_116 = arith.constant 0.000000e+00 : f32
    %broadcast_in_dim3A_117 = vector.broadcast %broadcast_in_dim3A_116 : f32 to vector<16xf32>
    %swap3A_118 = arith.constant 224 : index
    %swap3A_119 = tpu.vector_load %arg5[%swap3A_118] {strides = array<i32>} : memref<640xf32, #tpu.memory_space<vmem>>, vector<16xf32>,
    %swap3A_120 = vector.shape_cast %swap3A_119 : vector<16xf32> to vector<16xf32>
    %swap3A_121 = vector.shape_cast %broadcast_in_dim3A_117 : vector<16xf32> to vector<16xf32>
    tpu.vector_store %arg5[%swap3A_118], %swap3A_121 {strides = array<i32>} : memref<640xf32, #tpu.memory_space<vmem>>, vector<16xf32>,
    %broadcast_in_dim3A_122 = arith.constant 0.000000e+00 : f32
    %broadcast_in_dim3A_123 = vector.broadcast %broadcast_in_dim3A_122 : f32 to vector<16xf32>
    %swap3A_124 = arith.constant 240 : index
    %swap3A_125 = tpu.vector_load %arg5[%swap3A_124] {strides = array<i32>} : memref<640xf32, #tpu.memory_space<vmem>>, vector<16xf32>,
    %swap3A_126 = vector.shape_cast %swap3A_125 : vector<16xf32> to vector<16xf32>
    %swap3A_127 = vector.shape_cast %broadcast_in_dim3A_123 : vector<16xf32> to vector<16xf32>
    tpu.vector_store %arg5[%swap3A_124], %swap3A_127 {strides = array<i32>} : memref<640xf32, #tpu.memory_space<vmem>>, vector<16xf32>,
    %broadcast_in_dim3A_128 = arith.constant 0.000000e+00 : f32
    %broadcast_in_dim3A_129 = vector.broadcast %broadcast_in_dim3A_128 : f32 to vector<16xf32>
    %swap3A_130 = arith.constant 256 : index
    %swap3A_131 = tpu.vector_load %arg5[%swap3A_130] {strides = array<i32>} : memref<640xf32, #tpu.memory_space<vmem>>, vector<16xf32>,
    %swap3A_132 = vector.shape_cast %swap3A_131 : vector<16xf32> to vector<16xf32>
    %swap3A_133 = vector.shape_cast %broadcast_in_dim3A_129 : vector<16xf32> to vector<16xf32>
    tpu.vector_store %arg5[%swap3A_130], %swap3A_133 {strides = array<i32>} : memref<640xf32, #tpu.memory_space<vmem>>, vector<16xf32>,
    %broadcast_in_dim3A_134 = arith.constant 0.000000e+00 : f32
    %broadcast_in_dim3A_135 = vector.broadcast %broadcast_in_dim3A_134 : f32 to vector<16xf32>
    %swap3A_136 = arith.constant 272 : index
    %swap3A_137 = tpu.vector_load %arg5[%swap3A_136] {strides = array<i32>} : memref<640xf32, #tpu.memory_space<vmem>>, vector<16xf32>,
    %swap3A_138 = vector.shape_cast %swap3A_137 : vector<16xf32> to vector<16xf32>
    %swap3A_139 = vector.shape_cast %broadcast_in_dim3A_135 : vector<16xf32> to vector<16xf32>
    tpu.vector_store %arg5[%swap3A_136], %swap3A_139 {strides = array<i32>} : memref<640xf32, #tpu.memory_space<vmem>>, vector<16xf32>,
    %broadcast_in_dim3A_140 = arith.constant 0.000000e+00 : f32
    %broadcast_in_dim3A_141 = vector.broadcast %broadcast_in_dim3A_140 : f32 to vector<16xf32>
    %swap3A_142 = arith.constant 288 : index
    %swap3A_143 = tpu.vector_load %arg5[%swap3A_142] {strides = array<i32>} : memref<640xf32, #tpu.memory_space<vmem>>, vector<16xf32>,
    %swap3A_144 = vector.shape_cast %swap3A_143 : vector<16xf32> to vector<16xf32>
    %swap3A_145 = vector.shape_cast %broadcast_in_dim3A_141 : vector<16xf32> to vector<16xf32>
    tpu.vector_store %arg5[%swap3A_142], %swap3A_145 {strides = array<i32>} : memref<640xf32, #tpu.memory_space<vmem>>, vector<16xf32>,
    %broadcast_in_dim3A_146 = arith.constant 0.000000e+00 : f32
    %broadcast_in_dim3A_147 = vector.broadcast %broadcast_in_dim3A_146 : f32 to vector<16xf32>
    %swap3A_148 = arith.constant 304 : index
    %swap3A_149 = tpu.vector_load %arg5[%swap3A_148] {strides = array<i32>} : memref<640xf32, #tpu.memory_space<vmem>>, vector<16xf32>,
    %swap3A_150 = vector.shape_cast %swap3A_149 : vector<16xf32> to vector<16xf32>
    %swap3A_151 = vector.shape_cast %broadcast_in_dim3A_147 : vector<16xf32> to vector<16xf32>
    tpu.vector_store %arg5[%swap3A_148], %swap3A_151 {strides = array<i32>} : memref<640xf32, #tpu.memory_space<vmem>>, vector<16xf32>,
    %broadcast_in_dim3A_152 = arith.constant 0.000000e+00 : f32
    %broadcast_in_dim3A_153 = vector.broadcast %broadcast_in_dim3A_152 : f32 to vector<16xf32>
    %swap3A_154 = arith.constant 320 : index
    %swap3A_155 = tpu.vector_load %arg5[%swap3A_154] {strides = array<i32>} : memref<640xf32, #tpu.memory_space<vmem>>, vector<16xf32>,
    %swap3A_156 = vector.shape_cast %swap3A_155 : vector<16xf32> to vector<16xf32>
    %swap3A_157 = vector.shape_cast %broadcast_in_dim3A_153 : vector<16xf32> to vector<16xf32>
    tpu.vector_store %arg5[%swap3A_154], %swap3A_157 {strides = array<i32>} : memref<640xf32, #tpu.memory_space<vmem>>, vector<16xf32>,
    %broadcast_in_dim3A_158 = arith.constant 0.000000e+00 : f32
    %broadcast_in_dim3A_159 = vector.broadcast %broadcast_in_dim3A_158 : f32 to vector<16xf32>
    %swap3A_160 = arith.constant 336 : index
    %swap3A_161 = tpu.vector_load %arg5[%swap3A_160] {strides = array<i32>} : memref<640xf32, #tpu.memory_space<vmem>>, vector<16xf32>,
    %swap3A_162 = vector.shape_cast %swap3A_161 : vector<16xf32> to vector<16xf32>
    %swap3A_163 = vector.shape_cast %broadcast_in_dim3A_159 : vector<16xf32> to vector<16xf32>
    tpu.vector_store %arg5[%swap3A_160], %swap3A_163 {strides = array<i32>} : memref<640xf32, #tpu.memory_space<vmem>>, vector<16xf32>,
    %broadcast_in_dim3A_164 = arith.constant 0.000000e+00 : f32
    %broadcast_in_dim3A_165 = vector.broadcast %broadcast_in_dim3A_164 : f32 to vector<16xf32>
    %swap3A_166 = arith.constant 352 : index
    %swap3A_167 = tpu.vector_load %arg5[%swap3A_166] {strides = array<i32>} : memref<640xf32, #tpu.memory_space<vmem>>, vector<16xf32>,
    %swap3A_168 = vector.shape_cast %swap3A_167 : vector<16xf32> to vector<16xf32>
    %swap3A_169 = vector.shape_cast %broadcast_in_dim3A_165 : vector<16xf32> to vector<16xf32>
    tpu.vector_store %arg5[%swap3A_166], %swap3A_169 {strides = array<i32>} : memref<640xf32, #tpu.memory_space<vmem>>, vector<16xf32>,
    %broadcast_in_dim3A_170 = arith.constant 0.000000e+00 : f32
    %broadcast_in_dim3A_171 = vector.broadcast %broadcast_in_dim3A_170 : f32 to vector<16xf32>
    %swap3A_172 = arith.constant 368 : index
    %swap3A_173 = tpu.vector_load %arg5[%swap3A_172] {strides = array<i32>} : memref<640xf32, #tpu.memory_space<vmem>>, vector<16xf32>,
    %swap3A_174 = vector.shape_cast %swap3A_173 : vector<16xf32> to vector<16xf32>
    %swap3A_175 = vector.shape_cast %broadcast_in_dim3A_171 : vector<16xf32> to vector<16xf32>
    tpu.vector_store %arg5[%swap3A_172], %swap3A_175 {strides = array<i32>} : memref<640xf32, #tpu.memory_space<vmem>>, vector<16xf32>,
    %broadcast_in_dim3A_176 = arith.constant 0.000000e+00 : f32
    %broadcast_in_dim3A_177 = vector.broadcast %broadcast_in_dim3A_176 : f32 to vector<16xf32>
    %swap3A_178 = arith.constant 384 : index
    %swap3A_179 = tpu.vector_load %arg5[%swap3A_178] {strides = array<i32>} : memref<640xf32, #tpu.memory_space<vmem>>, vector<16xf32>,
    %swap3A_180 = vector.shape_cast %swap3A_179 : vector<16xf32> to vector<16xf32>
    %swap3A_181 = vector.shape_cast %broadcast_in_dim3A_177 : vector<16xf32> to vector<16xf32>
    tpu.vector_store %arg5[%swap3A_178], %swap3A_181 {strides = array<i32>} : memref<640xf32, #tpu.memory_space<vmem>>, vector<16xf32>,
    %broadcast_in_dim3A_182 = arith.constant 0.000000e+00 : f32
    %broadcast_in_dim3A_183 = vector.broadcast %broadcast_in_dim3A_182 : f32 to vector<16xf32>
    %swap3A_184 = arith.constant 400 : index
    %swap3A_185 = tpu.vector_load %arg5[%swap3A_184] {strides = array<i32>} : memref<640xf32, #tpu.memory_space<vmem>>, vector<16xf32>,
    %swap3A_186 = vector.shape_cast %swap3A_185 : vector<16xf32> to vector<16xf32>
    %swap3A_187 = vector.shape_cast %broadcast_in_dim3A_183 : vector<16xf32> to vector<16xf32>
    tpu.vector_store %arg5[%swap3A_184], %swap3A_187 {strides = array<i32>} : memref<640xf32, #tpu.memory_space<vmem>>, vector<16xf32>,
    %broadcast_in_dim3A_188 = arith.constant 0.000000e+00 : f32
    %broadcast_in_dim3A_189 = vector.broadcast %broadcast_in_dim3A_188 : f32 to vector<16xf32>
    %swap3A_190 = arith.constant 416 : index
    %swap3A_191 = tpu.vector_load %arg5[%swap3A_190] {strides = array<i32>} : memref<640xf32, #tpu.memory_space<vmem>>, vector<16xf32>,
    %swap3A_192 = vector.shape_cast %swap3A_191 : vector<16xf32> to vector<16xf32>
    %swap3A_193 = vector.shape_cast %broadcast_in_dim3A_189 : vector<16xf32> to vector<16xf32>
    tpu.vector_store %arg5[%swap3A_190], %swap3A_193 {strides = array<i32>} : memref<640xf32, #tpu.memory_space<vmem>>, vector<16xf32>,
    %broadcast_in_dim3A_194 = arith.constant 0.000000e+00 : f32
    %broadcast_in_dim3A_195 = vector.broadcast %broadcast_in_dim3A_194 : f32 to vector<16xf32>
    %swap3A_196 = arith.constant 432 : index
    %swap3A_197 = tpu.vector_load %arg5[%swap3A_196] {strides = array<i32>} : memref<640xf32, #tpu.memory_space<vmem>>, vector<16xf32>,
    %swap3A_198 = vector.shape_cast %swap3A_197 : vector<16xf32> to vector<16xf32>
    %swap3A_199 = vector.shape_cast %broadcast_in_dim3A_195 : vector<16xf32> to vector<16xf32>
    tpu.vector_store %arg5[%swap3A_196], %swap3A_199 {strides = array<i32>} : memref<640xf32, #tpu.memory_space<vmem>>, vector<16xf32>,
    %broadcast_in_dim3A_200 = arith.constant 0.000000e+00 : f32
    %broadcast_in_dim3A_201 = vector.broadcast %broadcast_in_dim3A_200 : f32 to vector<16xf32>
    %swap3A_202 = arith.constant 448 : index
    %swap3A_203 = tpu.vector_load %arg5[%swap3A_202] {strides = array<i32>} : memref<640xf32, #tpu.memory_space<vmem>>, vector<16xf32>,
    %swap3A_204 = vector.shape_cast %swap3A_203 : vector<16xf32> to vector<16xf32>
    %swap3A_205 = vector.shape_cast %broadcast_in_dim3A_201 : vector<16xf32> to vector<16xf32>
    tpu.vector_store %arg5[%swap3A_202], %swap3A_205 {strides = array<i32>} : memref<640xf32, #tpu.memory_space<vmem>>, vector<16xf32>,
    %broadcast_in_dim3A_206 = arith.constant 0.000000e+00 : f32
    %broadcast_in_dim3A_207 = vector.broadcast %broadcast_in_dim3A_206 : f32 to vector<16xf32>
    %swap3A_208 = arith.constant 464 : index
    %swap3A_209 = tpu.vector_load %arg5[%swap3A_208] {strides = array<i32>} : memref<640xf32, #tpu.memory_space<vmem>>, vector<16xf32>,
    %swap3A_210 = vector.shape_cast %swap3A_209 : vector<16xf32> to vector<16xf32>
    %swap3A_211 = vector.shape_cast %broadcast_in_dim3A_207 : vector<16xf32> to vector<16xf32>
    tpu.vector_store %arg5[%swap3A_208], %swap3A_211 {strides = array<i32>} : memref<640xf32, #tpu.memory_space<vmem>>, vector<16xf32>,
    %broadcast_in_dim3A_212 = arith.constant 0.000000e+00 : f32
    %broadcast_in_dim3A_213 = vector.broadcast %broadcast_in_dim3A_212 : f32 to vector<16xf32>
    %swap3A_214 = arith.constant 480 : index
    %swap3A_215 = tpu.vector_load %arg5[%swap3A_214] {strides = array<i32>} : memref<640xf32, #tpu.memory_space<vmem>>, vector<16xf32>,
    %swap3A_216 = vector.shape_cast %swap3A_215 : vector<16xf32> to vector<16xf32>
    %swap3A_217 = vector.shape_cast %broadcast_in_dim3A_213 : vector<16xf32> to vector<16xf32>
    tpu.vector_store %arg5[%swap3A_214], %swap3A_217 {strides = array<i32>} : memref<640xf32, #tpu.memory_space<vmem>>, vector<16xf32>,
    %broadcast_in_dim3A_218 = arith.constant 0.000000e+00 : f32
    %broadcast_in_dim3A_219 = vector.broadcast %broadcast_in_dim3A_218 : f32 to vector<16xf32>
    %swap3A_220 = arith.constant 496 : index
    %swap3A_221 = tpu.vector_load %arg5[%swap3A_220] {strides = array<i32>} : memref<640xf32, #tpu.memory_space<vmem>>, vector<16xf32>,
    %swap3A_222 = vector.shape_cast %swap3A_221 : vector<16xf32> to vector<16xf32>
    %swap3A_223 = vector.shape_cast %broadcast_in_dim3A_219 : vector<16xf32> to vector<16xf32>
    tpu.vector_store %arg5[%swap3A_220], %swap3A_223 {strides = array<i32>} : memref<640xf32, #tpu.memory_space<vmem>>, vector<16xf32>,
    %broadcast_in_dim3A_224 = arith.constant 0.000000e+00 : f32
    %broadcast_in_dim3A_225 = vector.broadcast %broadcast_in_dim3A_224 : f32 to vector<16xf32>
    %swap3A_226 = arith.constant 512 : index
    %swap3A_227 = tpu.vector_load %arg5[%swap3A_226] {strides = array<i32>} : memref<640xf32, #tpu.memory_space<vmem>>, vector<16xf32>,
    %swap3A_228 = vector.shape_cast %swap3A_227 : vector<16xf32> to vector<16xf32>
    %swap3A_229 = vector.shape_cast %broadcast_in_dim3A_225 : vector<16xf32> to vector<16xf32>
    tpu.vector_store %arg5[%swap3A_226], %swap3A_229 {strides = array<i32>} : memref<640xf32, #tpu.memory_space<vmem>>, vector<16xf32>,
    %broadcast_in_dim3A_230 = arith.constant 0.000000e+00 : f32
    %broadcast_in_dim3A_231 = vector.broadcast %broadcast_in_dim3A_230 : f32 to vector<16xf32>
    %swap3A_232 = arith.constant 528 : index
    %swap3A_233 = tpu.vector_load %arg5[%swap3A_232] {strides = array<i32>} : memref<640xf32, #tpu.memory_space<vmem>>, vector<16xf32>,
    %swap3A_234 = vector.shape_cast %swap3A_233 : vector<16xf32> to vector<16xf32>
    %swap3A_235 = vector.shape_cast %broadcast_in_dim3A_231 : vector<16xf32> to vector<16xf32>
    tpu.vector_store %arg5[%swap3A_232], %swap3A_235 {strides = array<i32>} : memref<640xf32, #tpu.memory_space<vmem>>, vector<16xf32>,
    %broadcast_in_dim3A_236 = arith.constant 0.000000e+00 : f32
    %broadcast_in_dim3A_237 = vector.broadcast %broadcast_in_dim3A_236 : f32 to vector<16xf32>
    %swap3A_238 = arith.constant 544 : index
    %swap3A_239 = tpu.vector_load %arg5[%swap3A_238] {strides = array<i32>} : memref<640xf32, #tpu.memory_space<vmem>>, vector<16xf32>,
    %swap3A_240 = vector.shape_cast %swap3A_239 : vector<16xf32> to vector<16xf32>
    %swap3A_241 = vector.shape_cast %broadcast_in_dim3A_237 : vector<16xf32> to vector<16xf32>
    tpu.vector_store %arg5[%swap3A_238], %swap3A_241 {strides = array<i32>} : memref<640xf32, #tpu.memory_space<vmem>>, vector<16xf32>,
    %broadcast_in_dim3A_242 = arith.constant 0.000000e+00 : f32
    %broadcast_in_dim3A_243 = vector.broadcast %broadcast_in_dim3A_242 : f32 to vector<16xf32>
    %swap3A_244 = arith.constant 560 : index
    %swap3A_245 = tpu.vector_load %arg5[%swap3A_244] {strides = array<i32>} : memref<640xf32, #tpu.memory_space<vmem>>, vector<16xf32>,
    %swap3A_246 = vector.shape_cast %swap3A_245 : vector<16xf32> to vector<16xf32>
    %swap3A_247 = vector.shape_cast %broadcast_in_dim3A_243 : vector<16xf32> to vector<16xf32>
    tpu.vector_store %arg5[%swap3A_244], %swap3A_247 {strides = array<i32>} : memref<640xf32, #tpu.memory_space<vmem>>, vector<16xf32>,
    %broadcast_in_dim3A_248 = arith.constant 0.000000e+00 : f32
    %broadcast_in_dim3A_249 = vector.broadcast %broadcast_in_dim3A_248 : f32 to vector<16xf32>
    %swap3A_250 = arith.constant 576 : index
    %swap3A_251 = tpu.vector_load %arg5[%swap3A_250] {strides = array<i32>} : memref<640xf32, #tpu.memory_space<vmem>>, vector<16xf32>,
    %swap3A_252 = vector.shape_cast %swap3A_251 : vector<16xf32> to vector<16xf32>
    %swap3A_253 = vector.shape_cast %broadcast_in_dim3A_249 : vector<16xf32> to vector<16xf32>
    tpu.vector_store %arg5[%swap3A_250], %swap3A_253 {strides = array<i32>} : memref<640xf32, #tpu.memory_space<vmem>>, vector<16xf32>,
    %broadcast_in_dim3A_254 = arith.constant 0.000000e+00 : f32
    %broadcast_in_dim3A_255 = vector.broadcast %broadcast_in_dim3A_254 : f32 to vector<16xf32>
    %swap3A_256 = arith.constant 592 : index
    %swap3A_257 = tpu.vector_load %arg5[%swap3A_256] {strides = array<i32>} : memref<640xf32, #tpu.memory_space<vmem>>, vector<16xf32>,
    %swap3A_258 = vector.shape_cast %swap3A_257 : vector<16xf32> to vector<16xf32>
    %swap3A_259 = vector.shape_cast %broadcast_in_dim3A_255 : vector<16xf32> to vector<16xf32>
    tpu.vector_store %arg5[%swap3A_256], %swap3A_259 {strides = array<i32>} : memref<640xf32, #tpu.memory_space<vmem>>, vector<16xf32>,
    %broadcast_in_dim3A_260 = arith.constant 0.000000e+00 : f32
    %broadcast_in_dim3A_261 = vector.broadcast %broadcast_in_dim3A_260 : f32 to vector<16xf32>
    %swap3A_262 = arith.constant 608 : index
    %swap3A_263 = tpu.vector_load %arg5[%swap3A_262] {strides = array<i32>} : memref<640xf32, #tpu.memory_space<vmem>>, vector<16xf32>,
    %swap3A_264 = vector.shape_cast %swap3A_263 : vector<16xf32> to vector<16xf32>
    %swap3A_265 = vector.shape_cast %broadcast_in_dim3A_261 : vector<16xf32> to vector<16xf32>
    tpu.vector_store %arg5[%swap3A_262], %swap3A_265 {strides = array<i32>} : memref<640xf32, #tpu.memory_space<vmem>>, vector<16xf32>,
    %broadcast_in_dim3A_266 = arith.constant 0.000000e+00 : f32
    %broadcast_in_dim3A_267 = vector.broadcast %broadcast_in_dim3A_266 : f32 to vector<16xf32>
    %swap3A_268 = arith.constant 624 : index
    %swap3A_269 = tpu.vector_load %arg5[%swap3A_268] {strides = array<i32>} : memref<640xf32, #tpu.memory_space<vmem>>, vector<16xf32>,
    %swap3A_270 = vector.shape_cast %swap3A_269 : vector<16xf32> to vector<16xf32>
    %swap3A_271 = vector.shape_cast %broadcast_in_dim3A_267 : vector<16xf32> to vector<16xf32>
    tpu.vector_store %arg5[%swap3A_268], %swap3A_271 {strides = array<i32>} : memref<640xf32, #tpu.memory_space<vmem>>, vector<16xf32>,
    "tpu.region"() ({
      %run_scoped3A = tpu.sem_alloc : memref<!tpu.dma_semaphore, #tpu.memory_space<semaphore_mem>>
      %dma_start3A_344 = tpu.memref_slice %arg4[%mul3A_0] : memref<10240xf32, #tpu.memory_space<vmem_shared>> -> memref<640xf32, #tpu.memory_space<vmem_shared>>
      %dma_start3A_345 = tpu.memref_slice %arg4[%mul3A_0] : memref<10240xf32, #tpu.memory_space<vmem_shared>> -> memref<640xf32, #tpu.memory_space<vmem_shared>>
      tpu.enqueue_dma source(%arg5 : memref<640xf32, #tpu.memory_space<vmem>>) target(%dma_start3A_345 : memref<640xf32, #tpu.memory_space<vmem_shared>>) target_semaphore(%run_scoped3A : memref<!tpu.dma_semaphore, #tpu.memory_space<semaphore_mem>>)
      %dma_wait3A_346 = tpu.memref_slice %arg4[%mul3A_0] : memref<10240xf32, #tpu.memory_space<vmem_shared>> -> memref<640xf32, #tpu.memory_space<vmem_shared>>
      %dma_wait3A_347 = tpu.memref_slice %arg4[%mul3A_0] : memref<10240xf32, #tpu.memory_space<vmem_shared>> -> memref<640xf32, #tpu.memory_space<vmem_shared>>
      tpu.wait_dma2 semaphore(%run_scoped3A : memref<!tpu.dma_semaphore, #tpu.memory_space<semaphore_mem>>) src(%arg5 : memref<640xf32, #tpu.memory_space<vmem>>) dst(%dma_wait3A_347 : memref<640xf32, #tpu.memory_space<vmem_shared>>)
      tpu.yield
    }) : () -> ()
    %barrier3A = arith.constant 0 : index
    tpu.barrier barrier_id(%barrier3A)
    %get3A = arith.constant 0 : index
    %get3A_272 = tpu.vector_load %arg7[%get3A] {strides = array<i32>} : memref<4992xi32, #tpu.memory_space<vmem>>, vector<16xi32>,
    %get3A_273 = vector.shape_cast %get3A_272 : vector<16xi32> to vector<16xi32>
    %swap3A_274 = arith.constant 0 : index
    %swap3A_275 = tpu.vector_load %arg8[%swap3A_274] {strides = array<i32>} : memref<64xi32, #tpu.memory_space<vmem>>, vector<16xi32>,
    %swap3A_276 = vector.shape_cast %swap3A_275 : vector<16xi32> to vector<16xi32>
    %swap3A_277 = vector.shape_cast %get3A_273 : vector<16xi32> to vector<16xi32>
    tpu.vector_store %arg8[%swap3A_274], %swap3A_277 {strides = array<i32>} : memref<64xi32, #tpu.memory_space<vmem>>, vector<16xi32>,
    %get3A_278 = arith.constant 16 : index
    %get3A_279 = tpu.vector_load %arg7[%get3A_278] {strides = array<i32>} : memref<4992xi32, #tpu.memory_space<vmem>>, vector<16xi32>,
    %get3A_280 = vector.shape_cast %get3A_279 : vector<16xi32> to vector<16xi32>
    %swap3A_281 = arith.constant 16 : index
    %swap3A_282 = tpu.vector_load %arg8[%swap3A_281] {strides = array<i32>} : memref<64xi32, #tpu.memory_space<vmem>>, vector<16xi32>,
    %swap3A_283 = vector.shape_cast %swap3A_282 : vector<16xi32> to vector<16xi32>
    %swap3A_284 = vector.shape_cast %get3A_280 : vector<16xi32> to vector<16xi32>
    tpu.vector_store %arg8[%swap3A_281], %swap3A_284 {strides = array<i32>} : memref<64xi32, #tpu.memory_space<vmem>>, vector<16xi32>,
    %get3A_285 = arith.constant 32 : index
    %get3A_286 = tpu.vector_load %arg7[%get3A_285] {strides = array<i32>} : memref<4992xi32, #tpu.memory_space<vmem>>, vector<16xi32>,
    %get3A_287 = vector.shape_cast %get3A_286 : vector<16xi32> to vector<16xi32>
    %swap3A_288 = arith.constant 32 : index
    %swap3A_289 = tpu.vector_load %arg8[%swap3A_288] {strides = array<i32>} : memref<64xi32, #tpu.memory_space<vmem>>, vector<16xi32>,
    %swap3A_290 = vector.shape_cast %swap3A_289 : vector<16xi32> to vector<16xi32>
    %swap3A_291 = vector.shape_cast %get3A_287 : vector<16xi32> to vector<16xi32>
    tpu.vector_store %arg8[%swap3A_288], %swap3A_291 {strides = array<i32>} : memref<64xi32, #tpu.memory_space<vmem>>, vector<16xi32>,
    %get3A_292 = arith.constant 48 : index
    %get3A_293 = tpu.vector_load %arg7[%get3A_292] {strides = array<i32>} : memref<4992xi32, #tpu.memory_space<vmem>>, vector<16xi32>,
    %get3A_294 = vector.shape_cast %get3A_293 : vector<16xi32> to vector<16xi32>
    %swap3A_295 = arith.constant 48 : index
    %swap3A_296 = tpu.vector_load %arg8[%swap3A_295] {strides = array<i32>} : memref<64xi32, #tpu.memory_space<vmem>>, vector<16xi32>,
    %swap3A_297 = vector.shape_cast %swap3A_296 : vector<16xi32> to vector<16xi32>
    %swap3A_298 = vector.shape_cast %get3A_294 : vector<16xi32> to vector<16xi32>
    tpu.vector_store %arg8[%swap3A_295], %swap3A_298 {strides = array<i32>} : memref<64xi32, #tpu.memory_space<vmem>>, vector<16xi32>,
    %dma_start3A = arith.constant 0 : i32
    %dma_start3A_299 = tpu.memref_slice %arg4[%dma_start3A] : memref<10240xf32, #tpu.memory_space<vmem_shared>> -> memref<10240xf32, #tpu.memory_space<vmem_shared>>
    tpu.enqueue_indirect_dma source(%arg6 : memref<64xf32, #tpu.memory_space<vmem>>) target(%dma_start3A_299 : memref<10240xf32, #tpu.memory_space<vmem_shared>>) offsets(%arg8 : memref<64xi32, #tpu.memory_space<vmem>>) semaphore(%arg10 : memref<!tpu.dma_semaphore, #tpu.memory_space<semaphore_mem>>) {add = true}
    %scan3A = arith.constant 0 : i32
    %scan3A_300 = arith.constant 0 : i32
    %scan3A_301 = arith.constant 38 : i32
    %scan3A_302 = arith.addi %scan3A_300, %scan3A_301 : i32
    %scan3A_303 = arith.constant 1 : i32
    scf.for %scan3A_344 = %scan3A_300 to %scan3A_302 step %scan3A_303  : i32 {
      %mul3A_345 = arith.constant 2 : i32
      %mul3A_346 = arith.muli %mul3A_345, %scan3A_344 : i32
      %add3A_347 = arith.constant 1 : i32
      %add3A_348 = arith.addi %mul3A_346, %add3A_347 : i32
      %mul3A_349 = arith.constant 64 : i32
      %mul3A_350 = arith.muli %add3A_348, %mul3A_349 : i32
      %add3A_351 = arith.constant 0 : i32
      %add3A_352 = arith.addi %mul3A_350, %add3A_351 : i32
      %get3A_353 = arith.index_cast %add3A_352 : i32 to index
      %get3A_354 = tpu.vector_load %arg7[%get3A_353] {strides = array<i32>} : memref<4992xi32, #tpu.memory_space<vmem>>, vector<16xi32>,
      %get3A_355 = vector.shape_cast %get3A_354 : vector<16xi32> to vector<16xi32>
      %swap3A_356 = arith.constant 0 : index
      %swap3A_357 = tpu.vector_load %arg9[%swap3A_356] {strides = array<i32>} : memref<64xi32, #tpu.memory_space<vmem>>, vector<16xi32>,
      %swap3A_358 = vector.shape_cast %swap3A_357 : vector<16xi32> to vector<16xi32>
      %swap3A_359 = vector.shape_cast %get3A_355 : vector<16xi32> to vector<16xi32>
      tpu.vector_store %arg9[%swap3A_356], %swap3A_359 {strides = array<i32>} : memref<64xi32, #tpu.memory_space<vmem>>, vector<16xi32>,
      %mul3A_360 = arith.constant 64 : i32
      %mul3A_361 = arith.muli %add3A_348, %mul3A_360 : i32
      %add3A_362 = arith.constant 16 : i32
      %add3A_363 = arith.addi %mul3A_361, %add3A_362 : i32
      %get3A_364 = arith.index_cast %add3A_363 : i32 to index
      %get3A_365 = tpu.vector_load %arg7[%get3A_364] {strides = array<i32>} : memref<4992xi32, #tpu.memory_space<vmem>>, vector<16xi32>,
      %get3A_366 = vector.shape_cast %get3A_365 : vector<16xi32> to vector<16xi32>
      %swap3A_367 = arith.constant 16 : index
      %swap3A_368 = tpu.vector_load %arg9[%swap3A_367] {strides = array<i32>} : memref<64xi32, #tpu.memory_space<vmem>>, vector<16xi32>,
      %swap3A_369 = vector.shape_cast %swap3A_368 : vector<16xi32> to vector<16xi32>
      %swap3A_370 = vector.shape_cast %get3A_366 : vector<16xi32> to vector<16xi32>
      tpu.vector_store %arg9[%swap3A_367], %swap3A_370 {strides = array<i32>} : memref<64xi32, #tpu.memory_space<vmem>>, vector<16xi32>,
      %mul3A_371 = arith.constant 64 : i32
      %mul3A_372 = arith.muli %add3A_348, %mul3A_371 : i32
      %add3A_373 = arith.constant 32 : i32
      %add3A_374 = arith.addi %mul3A_372, %add3A_373 : i32
      %get3A_375 = arith.index_cast %add3A_374 : i32 to index
      %get3A_376 = tpu.vector_load %arg7[%get3A_375] {strides = array<i32>} : memref<4992xi32, #tpu.memory_space<vmem>>, vector<16xi32>,
      %get3A_377 = vector.shape_cast %get3A_376 : vector<16xi32> to vector<16xi32>
      %swap3A_378 = arith.constant 32 : index
      %swap3A_379 = tpu.vector_load %arg9[%swap3A_378] {strides = array<i32>} : memref<64xi32, #tpu.memory_space<vmem>>, vector<16xi32>,
      %swap3A_380 = vector.shape_cast %swap3A_379 : vector<16xi32> to vector<16xi32>
      %swap3A_381 = vector.shape_cast %get3A_377 : vector<16xi32> to vector<16xi32>
      tpu.vector_store %arg9[%swap3A_378], %swap3A_381 {strides = array<i32>} : memref<64xi32, #tpu.memory_space<vmem>>, vector<16xi32>,
      %mul3A_382 = arith.constant 64 : i32
      %mul3A_383 = arith.muli %add3A_348, %mul3A_382 : i32
      %add3A_384 = arith.constant 48 : i32
      %add3A_385 = arith.addi %mul3A_383, %add3A_384 : i32
      %get3A_386 = arith.index_cast %add3A_385 : i32 to index
      %get3A_387 = tpu.vector_load %arg7[%get3A_386] {strides = array<i32>} : memref<4992xi32, #tpu.memory_space<vmem>>, vector<16xi32>,
      %get3A_388 = vector.shape_cast %get3A_387 : vector<16xi32> to vector<16xi32>
      %swap3A_389 = arith.constant 48 : index
      %swap3A_390 = tpu.vector_load %arg9[%swap3A_389] {strides = array<i32>} : memref<64xi32, #tpu.memory_space<vmem>>, vector<16xi32>,
      %swap3A_391 = vector.shape_cast %swap3A_390 : vector<16xi32> to vector<16xi32>
      %swap3A_392 = vector.shape_cast %get3A_388 : vector<16xi32> to vector<16xi32>
      tpu.vector_store %arg9[%swap3A_389], %swap3A_392 {strides = array<i32>} : memref<64xi32, #tpu.memory_space<vmem>>, vector<16xi32>,
      %dma_start3A_393 = arith.constant 0 : i32
      %dma_start3A_394 = tpu.memref_slice %arg4[%dma_start3A_393] : memref<10240xf32, #tpu.memory_space<vmem_shared>> -> memref<10240xf32, #tpu.memory_space<vmem_shared>>
      tpu.enqueue_indirect_dma source(%arg6 : memref<64xf32, #tpu.memory_space<vmem>>) target(%dma_start3A_394 : memref<10240xf32, #tpu.memory_space<vmem_shared>>) offsets(%arg9 : memref<64xi32, #tpu.memory_space<vmem>>) semaphore(%arg11 : memref<!tpu.dma_semaphore, #tpu.memory_space<semaphore_mem>>) {add = true}
      %dma_wait3A_395 = arith.constant 0 : i32
      %dma_wait3A_396 = tpu.memref_slice %arg4[%dma_wait3A_395] : memref<10240xf32, #tpu.memory_space<vmem_shared>> -> memref<10240xf32, #tpu.memory_space<vmem_shared>>
      tpu.wait_indirect_dma semaphore(%arg10 : memref<!tpu.dma_semaphore, #tpu.memory_space<semaphore_mem>>) src(%arg6 : memref<64xf32, #tpu.memory_space<vmem>>) dst(%dma_wait3A_396 : memref<10240xf32, #tpu.memory_space<vmem_shared>>)
      %add3A_397 = arith.constant 1 : i32
      %add3A_398 = arith.addi %add3A_348, %add3A_397 : i32
      %mul3A_399 = arith.constant 64 : i32
      %mul3A_400 = arith.muli %add3A_398, %mul3A_399 : i32
      %add3A_401 = arith.constant 0 : i32
      %add3A_402 = arith.addi %mul3A_400, %add3A_401 : i32
      %get3A_403 = arith.index_cast %add3A_402 : i32 to index
      %get3A_404 = tpu.vector_load %arg7[%get3A_403] {strides = array<i32>} : memref<4992xi32, #tpu.memory_space<vmem>>, vector<16xi32>,
      %get3A_405 = vector.shape_cast %get3A_404 : vector<16xi32> to vector<16xi32>
      %swap3A_406 = arith.constant 0 : index
      %swap3A_407 = tpu.vector_load %arg8[%swap3A_406] {strides = array<i32>} : memref<64xi32, #tpu.memory_space<vmem>>, vector<16xi32>,
      %swap3A_408 = vector.shape_cast %swap3A_407 : vector<16xi32> to vector<16xi32>
      %swap3A_409 = vector.shape_cast %get3A_405 : vector<16xi32> to vector<16xi32>
      tpu.vector_store %arg8[%swap3A_406], %swap3A_409 {strides = array<i32>} : memref<64xi32, #tpu.memory_space<vmem>>, vector<16xi32>,
      %mul3A_410 = arith.constant 64 : i32
      %mul3A_411 = arith.muli %add3A_398, %mul3A_410 : i32
      %add3A_412 = arith.constant 16 : i32
      %add3A_413 = arith.addi %mul3A_411, %add3A_412 : i32
      %get3A_414 = arith.index_cast %add3A_413 : i32 to index
      %get3A_415 = tpu.vector_load %arg7[%get3A_414] {strides = array<i32>} : memref<4992xi32, #tpu.memory_space<vmem>>, vector<16xi32>,
      %get3A_416 = vector.shape_cast %get3A_415 : vector<16xi32> to vector<16xi32>
      %swap3A_417 = arith.constant 16 : index
      %swap3A_418 = tpu.vector_load %arg8[%swap3A_417] {strides = array<i32>} : memref<64xi32, #tpu.memory_space<vmem>>, vector<16xi32>,
      %swap3A_419 = vector.shape_cast %swap3A_418 : vector<16xi32> to vector<16xi32>
      %swap3A_420 = vector.shape_cast %get3A_416 : vector<16xi32> to vector<16xi32>
      tpu.vector_store %arg8[%swap3A_417], %swap3A_420 {strides = array<i32>} : memref<64xi32, #tpu.memory_space<vmem>>, vector<16xi32>,
      %mul3A_421 = arith.constant 64 : i32
      %mul3A_422 = arith.muli %add3A_398, %mul3A_421 : i32
      %add3A_423 = arith.constant 32 : i32
      %add3A_424 = arith.addi %mul3A_422, %add3A_423 : i32
      %get3A_425 = arith.index_cast %add3A_424 : i32 to index
      %get3A_426 = tpu.vector_load %arg7[%get3A_425] {strides = array<i32>} : memref<4992xi32, #tpu.memory_space<vmem>>, vector<16xi32>,
      %get3A_427 = vector.shape_cast %get3A_426 : vector<16xi32> to vector<16xi32>
      %swap3A_428 = arith.constant 32 : index
      %swap3A_429 = tpu.vector_load %arg8[%swap3A_428] {strides = array<i32>} : memref<64xi32, #tpu.memory_space<vmem>>, vector<16xi32>,
      %swap3A_430 = vector.shape_cast %swap3A_429 : vector<16xi32> to vector<16xi32>
      %swap3A_431 = vector.shape_cast %get3A_427 : vector<16xi32> to vector<16xi32>
      tpu.vector_store %arg8[%swap3A_428], %swap3A_431 {strides = array<i32>} : memref<64xi32, #tpu.memory_space<vmem>>, vector<16xi32>,
      %mul3A_432 = arith.constant 64 : i32
      %mul3A_433 = arith.muli %add3A_398, %mul3A_432 : i32
      %add3A_434 = arith.constant 48 : i32
      %add3A_435 = arith.addi %mul3A_433, %add3A_434 : i32
      %get3A_436 = arith.index_cast %add3A_435 : i32 to index
      %get3A_437 = tpu.vector_load %arg7[%get3A_436] {strides = array<i32>} : memref<4992xi32, #tpu.memory_space<vmem>>, vector<16xi32>,
      %get3A_438 = vector.shape_cast %get3A_437 : vector<16xi32> to vector<16xi32>
      %swap3A_439 = arith.constant 48 : index
      %swap3A_440 = tpu.vector_load %arg8[%swap3A_439] {strides = array<i32>} : memref<64xi32, #tpu.memory_space<vmem>>, vector<16xi32>,
      %swap3A_441 = vector.shape_cast %swap3A_440 : vector<16xi32> to vector<16xi32>
      %swap3A_442 = vector.shape_cast %get3A_438 : vector<16xi32> to vector<16xi32>
      tpu.vector_store %arg8[%swap3A_439], %swap3A_442 {strides = array<i32>} : memref<64xi32, #tpu.memory_space<vmem>>, vector<16xi32>,
      %dma_start3A_443 = arith.constant 0 : i32
      %dma_start3A_444 = tpu.memref_slice %arg4[%dma_start3A_443] : memref<10240xf32, #tpu.memory_space<vmem_shared>> -> memref<10240xf32, #tpu.memory_space<vmem_shared>>
      tpu.enqueue_indirect_dma source(%arg6 : memref<64xf32, #tpu.memory_space<vmem>>) target(%dma_start3A_444 : memref<10240xf32, #tpu.memory_space<vmem_shared>>) offsets(%arg8 : memref<64xi32, #tpu.memory_space<vmem>>) semaphore(%arg10 : memref<!tpu.dma_semaphore, #tpu.memory_space<semaphore_mem>>) {add = true}
      %dma_wait3A_445 = arith.constant 0 : i32
      %dma_wait3A_446 = tpu.memref_slice %arg4[%dma_wait3A_445] : memref<10240xf32, #tpu.memory_space<vmem_shared>> -> memref<10240xf32, #tpu.memory_space<vmem_shared>>
      tpu.wait_indirect_dma semaphore(%arg11 : memref<!tpu.dma_semaphore, #tpu.memory_space<semaphore_mem>>) src(%arg6 : memref<64xf32, #tpu.memory_space<vmem>>) dst(%dma_wait3A_446 : memref<10240xf32, #tpu.memory_space<vmem_shared>>)
    }
    %scan3A_304 = arith.constant 38 : i32
    %dma_wait3A = arith.constant 0 : i32
    %dma_wait3A_305 = tpu.memref_slice %arg4[%dma_wait3A] : memref<10240xf32, #tpu.memory_space<vmem_shared>> -> memref<10240xf32, #tpu.memory_space<vmem_shared>>
    tpu.wait_indirect_dma semaphore(%arg10 : memref<!tpu.dma_semaphore, #tpu.memory_space<semaphore_mem>>) src(%arg6 : memref<64xf32, #tpu.memory_space<vmem>>) dst(%dma_wait3A_305 : memref<10240xf32, #tpu.memory_space<vmem_shared>>)
    %get3A_306 = arith.constant 4928 : index
    %get3A_307 = tpu.vector_load %arg7[%get3A_306] {strides = array<i32>} : memref<4992xi32, #tpu.memory_space<vmem>>, vector<16xi32>,
    %get3A_308 = vector.shape_cast %get3A_307 : vector<16xi32> to vector<16xi32>
    %swap3A_309 = arith.constant 0 : index
    %swap3A_310 = tpu.vector_load %arg8[%swap3A_309] {strides = array<i32>} : memref<64xi32, #tpu.memory_space<vmem>>, vector<16xi32>,
    %swap3A_311 = vector.shape_cast %swap3A_310 : vector<16xi32> to vector<16xi32>
    %swap3A_312 = vector.shape_cast %get3A_308 : vector<16xi32> to vector<16xi32>
    tpu.vector_store %arg8[%swap3A_309], %swap3A_312 {strides = array<i32>} : memref<64xi32, #tpu.memory_space<vmem>>, vector<16xi32>,
    %get3A_313 = arith.constant 4944 : index
    %get3A_314 = tpu.vector_load %arg7[%get3A_313] {strides = array<i32>} : memref<4992xi32, #tpu.memory_space<vmem>>, vector<16xi32>,
    %get3A_315 = vector.shape_cast %get3A_314 : vector<16xi32> to vector<16xi32>
    %swap3A_316 = arith.constant 16 : index
    %swap3A_317 = tpu.vector_load %arg8[%swap3A_316] {strides = array<i32>} : memref<64xi32, #tpu.memory_space<vmem>>, vector<16xi32>,
    %swap3A_318 = vector.shape_cast %swap3A_317 : vector<16xi32> to vector<16xi32>
    %swap3A_319 = vector.shape_cast %get3A_315 : vector<16xi32> to vector<16xi32>
    tpu.vector_store %arg8[%swap3A_316], %swap3A_319 {strides = array<i32>} : memref<64xi32, #tpu.memory_space<vmem>>, vector<16xi32>,
    %get3A_320 = arith.constant 4960 : index
    %get3A_321 = tpu.vector_load %arg7[%get3A_320] {strides = array<i32>} : memref<4992xi32, #tpu.memory_space<vmem>>, vector<16xi32>,
    %get3A_322 = vector.shape_cast %get3A_321 : vector<16xi32> to vector<16xi32>
    %swap3A_323 = arith.constant 32 : index
    %swap3A_324 = tpu.vector_load %arg8[%swap3A_323] {strides = array<i32>} : memref<64xi32, #tpu.memory_space<vmem>>, vector<16xi32>,
    %swap3A_325 = vector.shape_cast %swap3A_324 : vector<16xi32> to vector<16xi32>
    %swap3A_326 = vector.shape_cast %get3A_322 : vector<16xi32> to vector<16xi32>
    tpu.vector_store %arg8[%swap3A_323], %swap3A_326 {strides = array<i32>} : memref<64xi32, #tpu.memory_space<vmem>>, vector<16xi32>,
    %get3A_327 = arith.constant 4976 : index
    %get3A_328 = tpu.vector_load %arg7[%get3A_327] {strides = array<i32>} : memref<4992xi32, #tpu.memory_space<vmem>>, vector<16xi32>,
    %get3A_329 = vector.shape_cast %get3A_328 : vector<16xi32> to vector<16xi32>
    %swap3A_330 = arith.constant 48 : index
    %swap3A_331 = tpu.vector_load %arg8[%swap3A_330] {strides = array<i32>} : memref<64xi32, #tpu.memory_space<vmem>>, vector<16xi32>,
    %swap3A_332 = vector.shape_cast %swap3A_331 : vector<16xi32> to vector<16xi32>
    %swap3A_333 = vector.shape_cast %get3A_329 : vector<16xi32> to vector<16xi32>
    tpu.vector_store %arg8[%swap3A_330], %swap3A_333 {strides = array<i32>} : memref<64xi32, #tpu.memory_space<vmem>>, vector<16xi32>,
    "tpu.region"() ({
      %run_scoped3A = tpu.sem_alloc : memref<!tpu.dma_semaphore, #tpu.memory_space<semaphore_mem>>
      %dma_start3A_344 = arith.constant 0 : i32
      %dma_start3A_345 = tpu.memref_slice %arg4[%dma_start3A_344] : memref<10240xf32, #tpu.memory_space<vmem_shared>> -> memref<10240xf32, #tpu.memory_space<vmem_shared>>
      tpu.enqueue_indirect_dma source(%arg6 : memref<64xf32, #tpu.memory_space<vmem>>) target(%dma_start3A_345 : memref<10240xf32, #tpu.memory_space<vmem_shared>>) offsets(%arg8 : memref<64xi32, #tpu.memory_space<vmem>>) semaphore(%run_scoped3A : memref<!tpu.dma_semaphore, #tpu.memory_space<semaphore_mem>>) {add = true}
      %dma_wait3A_346 = arith.constant 0 : i32
      %dma_wait3A_347 = tpu.memref_slice %arg4[%dma_wait3A_346] : memref<10240xf32, #tpu.memory_space<vmem_shared>> -> memref<10240xf32, #tpu.memory_space<vmem_shared>>
      tpu.wait_indirect_dma semaphore(%run_scoped3A : memref<!tpu.dma_semaphore, #tpu.memory_space<semaphore_mem>>) src(%arg6 : memref<64xf32, #tpu.memory_space<vmem>>) dst(%dma_wait3A_347 : memref<10240xf32, #tpu.memory_space<vmem_shared>>)
      tpu.yield
    }) : () -> ()
    %lt3A = arith.constant 4 : i32
    %lt3A_334 = arith.cmpi slt, %add3A, %lt3A : i32
    %convert_element_type3A = arith.extui %lt3A_334 : i1 to i32
    %cond3A = arith.constant 0 : i32
    %cond3A_335 = arith.cmpi ne, %convert_element_type3A, %cond3A : i32
    scf.if %cond3A_335 {
      %add3A_344 = arith.constant 2496 : i32
      %add3A_345 = arith.addi %add3A_344, %add3A : i32
      %mul3A_346 = arith.constant 64 : i32
      %mul3A_347 = arith.muli %add3A_345, %mul3A_346 : i32
      %add3A_348 = arith.constant 160000 : i32
      %add3A_349 = arith.addi %add3A_348, %mul3A_347 : i32
      "tpu.region"() ({
        %run_scoped3A = tpu.sem_alloc : memref<!tpu.dma_semaphore, #tpu.memory_space<semaphore_mem>>
        %dma_start3A_350 = tpu.memref_slice %arg2[%add3A_349] : memref<320000xi32, #tpu.memory_space<hbm>> -> memref<64xi32, #tpu.memory_space<hbm>>
        %dma_start3A_351 = tpu.memref_slice %arg2[%add3A_349] : memref<320000xi32, #tpu.memory_space<hbm>> -> memref<64xi32, #tpu.memory_space<hbm>>
        tpu.enqueue_dma source(%dma_start3A_351 : memref<64xi32, #tpu.memory_space<hbm>>) target(%arg8 : memref<64xi32, #tpu.memory_space<vmem>>) target_semaphore(%run_scoped3A : memref<!tpu.dma_semaphore, #tpu.memory_space<semaphore_mem>>)
        %dma_wait3A_352 = tpu.memref_slice %arg2[%add3A_349] : memref<320000xi32, #tpu.memory_space<hbm>> -> memref<64xi32, #tpu.memory_space<hbm>>
        %dma_wait3A_353 = tpu.memref_slice %arg2[%add3A_349] : memref<320000xi32, #tpu.memory_space<hbm>> -> memref<64xi32, #tpu.memory_space<hbm>>
        tpu.wait_dma2 semaphore(%run_scoped3A : memref<!tpu.dma_semaphore, #tpu.memory_space<semaphore_mem>>) src(%dma_wait3A_353 : memref<64xi32, #tpu.memory_space<hbm>>) dst(%arg8 : memref<64xi32, #tpu.memory_space<vmem>>)
        tpu.yield
      }) : () -> ()
      "tpu.region"() ({
        %run_scoped3A = tpu.sem_alloc : memref<!tpu.dma_semaphore, #tpu.memory_space<semaphore_mem>>
        %dma_start3A_350 = arith.constant 0 : i32
        %dma_start3A_351 = tpu.memref_slice %arg4[%dma_start3A_350] : memref<10240xf32, #tpu.memory_space<vmem_shared>> -> memref<10240xf32, #tpu.memory_space<vmem_shared>>
        tpu.enqueue_indirect_dma source(%arg6 : memref<64xf32, #tpu.memory_space<vmem>>) target(%dma_start3A_351 : memref<10240xf32, #tpu.memory_space<vmem_shared>>) offsets(%arg8 : memref<64xi32, #tpu.memory_space<vmem>>) semaphore(%run_scoped3A : memref<!tpu.dma_semaphore, #tpu.memory_space<semaphore_mem>>) {add = true}
        %dma_wait3A_352 = arith.constant 0 : i32
        %dma_wait3A_353 = tpu.memref_slice %arg4[%dma_wait3A_352] : memref<10240xf32, #tpu.memory_space<vmem_shared>> -> memref<10240xf32, #tpu.memory_space<vmem_shared>>
        tpu.wait_indirect_dma semaphore(%run_scoped3A : memref<!tpu.dma_semaphore, #tpu.memory_space<semaphore_mem>>) src(%arg6 : memref<64xf32, #tpu.memory_space<vmem>>) dst(%dma_wait3A_353 : memref<10240xf32, #tpu.memory_space<vmem_shared>>)
        tpu.yield
      }) : () -> ()
    } else {
    }
    %barrier3A_336 = arith.constant 0 : index
    tpu.barrier barrier_id(%barrier3A_336)
    "tpu.region"() ({
      %run_scoped3A = tpu.sem_alloc : memref<!tpu.dma_semaphore, #tpu.memory_space<semaphore_mem>>
      %dma_start3A_344 = tpu.memref_slice %arg4[%mul3A_0] : memref<10240xf32, #tpu.memory_space<vmem_shared>> -> memref<640xf32, #tpu.memory_space<vmem_shared>>
      %dma_start3A_345 = tpu.memref_slice %arg4[%mul3A_0] : memref<10240xf32, #tpu.memory_space<vmem_shared>> -> memref<640xf32, #tpu.memory_space<vmem_shared>>
      tpu.enqueue_dma source(%dma_start3A_345 : memref<640xf32, #tpu.memory_space<vmem_shared>>) target(%arg5 : memref<640xf32, #tpu.memory_space<vmem>>) target_semaphore(%run_scoped3A : memref<!tpu.dma_semaphore, #tpu.memory_space<semaphore_mem>>)
      %dma_wait3A_346 = tpu.memref_slice %arg4[%mul3A_0] : memref<10240xf32, #tpu.memory_space<vmem_shared>> -> memref<640xf32, #tpu.memory_space<vmem_shared>>
      %dma_wait3A_347 = tpu.memref_slice %arg4[%mul3A_0] : memref<10240xf32, #tpu.memory_space<vmem_shared>> -> memref<640xf32, #tpu.memory_space<vmem_shared>>
      tpu.wait_dma2 semaphore(%run_scoped3A : memref<!tpu.dma_semaphore, #tpu.memory_space<semaphore_mem>>) src(%dma_wait3A_347 : memref<640xf32, #tpu.memory_space<vmem_shared>>) dst(%arg5 : memref<640xf32, #tpu.memory_space<vmem>>)
      tpu.yield
    }) : () -> ()
    %not3A = arith.constant true
    %not3A_337 = arith.xori %eq3A_1, %not3A : i1
    %convert_element_type3A_338 = arith.extui %not3A_337 : i1 to i32
    %cond3A_339 = arith.constant 0 : i32
    %cond3A_340 = arith.cmpi ne, %convert_element_type3A_338, %cond3A_339 : i32
    scf.if %cond3A_340 {
      %mul3A_344 = arith.constant 10000 : i32
      %mul3A_345 = arith.muli %arg0, %mul3A_344 : i32
      %add3A_346 = arith.addi %mul3A_345, %mul3A_0 : i32
      "tpu.region"() ({
        %run_scoped3A = tpu.sem_alloc : memref<!tpu.dma_semaphore, #tpu.memory_space<semaphore_mem>>
        %dma_start3A_347 = tpu.memref_slice %arg3[%add3A_346] : memref<20000xf32, #tpu.memory_space<hbm>> -> memref<640xf32, #tpu.memory_space<hbm>>
        %dma_start3A_348 = tpu.memref_slice %arg3[%add3A_346] : memref<20000xf32, #tpu.memory_space<hbm>> -> memref<640xf32, #tpu.memory_space<hbm>>
        tpu.enqueue_dma source(%arg5 : memref<640xf32, #tpu.memory_space<vmem>>) target(%dma_start3A_348 : memref<640xf32, #tpu.memory_space<hbm>>) target_semaphore(%run_scoped3A : memref<!tpu.dma_semaphore, #tpu.memory_space<semaphore_mem>>)
        %dma_wait3A_349 = tpu.memref_slice %arg3[%add3A_346] : memref<20000xf32, #tpu.memory_space<hbm>> -> memref<640xf32, #tpu.memory_space<hbm>>
        %dma_wait3A_350 = tpu.memref_slice %arg3[%add3A_346] : memref<20000xf32, #tpu.memory_space<hbm>> -> memref<640xf32, #tpu.memory_space<hbm>>
        tpu.wait_dma2 semaphore(%run_scoped3A : memref<!tpu.dma_semaphore, #tpu.memory_space<semaphore_mem>>) src(%arg5 : memref<640xf32, #tpu.memory_space<vmem>>) dst(%dma_wait3A_350 : memref<640xf32, #tpu.memory_space<hbm>>)
        tpu.yield
      }) : () -> ()
    } else {
    }
    %convert_element_type3A_341 = arith.extui %eq3A_1 : i1 to i32
    %cond3A_342 = arith.constant 0 : i32
    %cond3A_343 = arith.cmpi ne, %convert_element_type3A_341, %cond3A_342 : i32
    scf.if %cond3A_343 {
      %mul3A_344 = arith.constant 10000 : i32
      %mul3A_345 = arith.muli %arg0, %mul3A_344 : i32
      %add3A_346 = arith.addi %mul3A_345, %mul3A_0 : i32
      "tpu.region"() ({
        %run_scoped3A = tpu.sem_alloc : memref<!tpu.dma_semaphore, #tpu.memory_space<semaphore_mem>>
        %dma_start3A_347 = arith.constant 0 : i32
        %dma_start3A_348 = tpu.memref_slice %arg5[%dma_start3A_347] : memref<640xf32, #tpu.memory_space<vmem>> -> memref<400xf32, #tpu.memory_space<vmem>>
        %dma_start3A_349 = tpu.memref_slice %arg3[%add3A_346] : memref<20000xf32, #tpu.memory_space<hbm>> -> memref<400xf32, #tpu.memory_space<hbm>>
        %dma_start3A_350 = tpu.memref_slice %arg3[%add3A_346] : memref<20000xf32, #tpu.memory_space<hbm>> -> memref<400xf32, #tpu.memory_space<hbm>>
        %dma_start3A_351 = arith.constant 0 : i32
        %dma_start3A_352 = tpu.memref_slice %arg5[%dma_start3A_351] : memref<640xf32, #tpu.memory_space<vmem>> -> memref<400xf32, #tpu.memory_space<vmem>>
        tpu.enqueue_dma source(%dma_start3A_352 : memref<400xf32, #tpu.memory_space<vmem>>) target(%dma_start3A_350 : memref<400xf32, #tpu.memory_space<hbm>>) target_semaphore(%run_scoped3A : memref<!tpu.dma_semaphore, #tpu.memory_space<semaphore_mem>>)
        %dma_wait3A_353 = arith.constant 0 : i32
        %dma_wait3A_354 = tpu.memref_slice %arg5[%dma_wait3A_353] : memref<640xf32, #tpu.memory_space<vmem>> -> memref<400xf32, #tpu.memory_space<vmem>>
        %dma_wait3A_355 = tpu.memref_slice %arg3[%add3A_346] : memref<20000xf32, #tpu.memory_space<hbm>> -> memref<400xf32, #tpu.memory_space<hbm>>
        %dma_wait3A_356 = tpu.memref_slice %arg3[%add3A_346] : memref<20000xf32, #tpu.memory_space<hbm>> -> memref<400xf32, #tpu.memory_space<hbm>>
        %dma_wait3A_357 = arith.constant 0 : i32
        %dma_wait3A_358 = tpu.memref_slice %arg5[%dma_wait3A_357] : memref<640xf32, #tpu.memory_space<vmem>> -> memref<400xf32, #tpu.memory_space<vmem>>
        tpu.wait_dma2 semaphore(%run_scoped3A : memref<!tpu.dma_semaphore, #tpu.memory_space<semaphore_mem>>) src(%dma_wait3A_358 : memref<400xf32, #tpu.memory_space<vmem>>) dst(%dma_wait3A_356 : memref<400xf32, #tpu.memory_space<hbm>>)
        tpu.yield
      }) : () -> ()
    } else {
    }
    return
  }
}

module attributes {stable_mosaic.version = 14 : i64} {
  func.func @_mm_body(%arg0: i32, %arg1: memref<1000x256xf32, #tpu.memory_space<vmem>>, %arg2: memref<256x256xf32, #tpu.memory_space<vmem>>, %arg3: memref<2x10x1000xf32, #tpu.memory_space<vmem>>, %arg4: memref<2x1000x128xf32, #tpu.memory_space<vmem>>) attributes {dimension_semantics = [#tpu.dimension_semantics<arbitrary>], iteration_bounds = array<i64: 10>, scalar_prefetch = 0 : i64, scratch_operands = 0 : i64, tpu.core_type = #tpu.core_type<tc>, window_params = [{transform_indices = @transform_0, window_bounds = array<i64: 1000, 256>}, {pipeline_mode = #tpu.pipeline_mode<synchronous>, transform_indices = @transform_1, window_bounds = array<i64: 256, 256>}, {pipeline_mode = #tpu.pipeline_mode<synchronous>, transform_indices = @transform_2, window_bounds = array<i64: 2, 10, 1000>}, {transform_indices = @transform_3, window_bounds = array<i64: 2, 1000, 128>}]} {
    %get3A = arith.constant 0 : index
    %get3A_0 = arith.index_cast %arg0 : i32 to index
    %get3A_1 = arith.constant 0 : index
    %get3A_2 = vector.load %arg3[%get3A, %get3A_0, %get3A_1] : memref<2x10x1000xf32, #tpu.memory_space<vmem>>, vector<1x1x1000xf32>
    %get3A_3 = vector.shape_cast %get3A_2 : vector<1x1x1000xf32> to vector<1000xf32>
    %get3A_4 = arith.constant 1 : index
    %get3A_5 = arith.index_cast %arg0 : i32 to index
    %get3A_6 = arith.constant 0 : index
    %get3A_7 = vector.load %arg3[%get3A_4, %get3A_5, %get3A_6] : memref<2x10x1000xf32, #tpu.memory_space<vmem>>, vector<1x1x1000xf32>
    %get3A_8 = vector.shape_cast %get3A_7 : vector<1x1x1000xf32> to vector<1000xf32>
    %add3A = arith.addf %get3A_3, %get3A_8 : vector<1000xf32>
    %add3A_9 = arith.constant 1.000000e+00 : f32
    %add3A_10 = vector.broadcast %add3A_9 : f32 to vector<1000xf32>
    %add3A_11 = arith.addf %add3A, %add3A_10 : vector<1000xf32>
    %rsqrt3A = math.rsqrt %add3A_11 : vector<1000xf32>
    %get3A_12 = arith.constant 0 : index
    %get3A_13 = arith.constant 0 : index
    %get3A_14 = vector.load %arg1[%get3A_12, %get3A_13] : memref<1000x256xf32, #tpu.memory_space<vmem>>, vector<1000x256xf32>
    %get3A_15 = arith.constant 0 : index
    %get3A_16 = arith.constant 0 : index
    %get3A_17 = vector.load %arg2[%get3A_15, %get3A_16] : memref<256x256xf32, #tpu.memory_space<vmem>>, vector<256x256xf32>
    %dot_general3A = arith.constant dense<0.000000e+00> : vector<1000x256xf32>
    %dot_general3A_18 = tpu.matmul %get3A_14, %get3A_17, %dot_general3A {dimension_numbers = #tpu.dot_dimension_numbers<[1], [0], [0], [1], [0, 0, 1, 1], [], []>, transpose_lhs_hint = false} : vector<1000x256xf32>, vector<256x256xf32>, vector<1000x256xf32> -> vector<1000x256xf32>
    %broadcast_in_dim3A = vector.shape_cast %rsqrt3A : vector<1000xf32> to vector<1000x1xf32>
    %mul3A = vector.broadcast %broadcast_in_dim3A : vector<1000x1xf32> to vector<1000x256xf32>
    %mul3A_19 = arith.mulf %dot_general3A_18, %mul3A : vector<1000x256xf32>
    %slice3A = vector.extract_strided_slice %mul3A_19 {offsets = [0, 0], sizes = [1000, 128], strides = [1, 1]} : vector<1000x256xf32> to vector<1000x128xf32>
    %swap3A = arith.constant 0 : index
    %swap3A_20 = arith.constant 0 : index
    %swap3A_21 = arith.constant 0 : index
    %swap3A_22 = vector.load %arg4[%swap3A, %swap3A_20, %swap3A_21] : memref<2x1000x128xf32, #tpu.memory_space<vmem>>, vector<1x1000x128xf32>
    %swap3A_23 = vector.shape_cast %swap3A_22 : vector<1x1000x128xf32> to vector<1000x128xf32>
    %swap3A_24 = vector.shape_cast %slice3A : vector<1000x128xf32> to vector<1x1000x128xf32>
    tpu.vector_store %arg4[%swap3A, %swap3A_20, %swap3A_21], %swap3A_24 {strides = array<i32>} : memref<2x1000x128xf32, #tpu.memory_space<vmem>>, vector<1x1000x128xf32>,
    %slice3A_25 = vector.extract_strided_slice %mul3A_19 {offsets = [0, 128], sizes = [1000, 128], strides = [1, 1]} : vector<1000x256xf32> to vector<1000x128xf32>
    %swap3A_26 = arith.constant 1 : index
    %swap3A_27 = arith.constant 0 : index
    %swap3A_28 = arith.constant 0 : index
    %swap3A_29 = vector.load %arg4[%swap3A_26, %swap3A_27, %swap3A_28] : memref<2x1000x128xf32, #tpu.memory_space<vmem>>, vector<1x1000x128xf32>
    %swap3A_30 = vector.shape_cast %swap3A_29 : vector<1x1000x128xf32> to vector<1000x128xf32>
    %swap3A_31 = vector.shape_cast %slice3A_25 : vector<1000x128xf32> to vector<1x1000x128xf32>
    tpu.vector_store %arg4[%swap3A_26, %swap3A_27, %swap3A_28], %swap3A_31 {strides = array<i32>} : memref<2x1000x128xf32, #tpu.memory_space<vmem>>, vector<1x1000x128xf32>,
    return
  }
  func.func @transform_0(%arg0: i32) -> (i32, i32) {
    %c0_i32 = arith.constant 0 : i32
    %c0_i32_0 = arith.constant 0 : i32
    return %arg0, %c0_i32 : i32, i32
  }
  func.func @transform_1(%arg0: i32) -> (i32, i32) {
    %c0_i32 = arith.constant 0 : i32
    %c0_i32_0 = arith.constant 0 : i32
    %c0_i32_1 = arith.constant 0 : i32
    return %c0_i32, %c0_i32_0 : i32, i32
  }
  func.func @transform_2(%arg0: i32) -> (i32, i32, i32) {
    %c0_i32 = arith.constant 0 : i32
    %c0_i32_0 = arith.constant 0 : i32
    %c0_i32_1 = arith.constant 0 : i32
    %c0_i32_2 = arith.constant 0 : i32
    return %c0_i32, %c0_i32_0, %c0_i32_1 : i32, i32, i32
  }
  func.func @transform_3(%arg0: i32) -> (i32, i32, i32) {
    %c0_i32 = arith.constant 0 : i32
    %c0_i32_0 = arith.constant 0 : i32
    %c0_i32_1 = arith.constant 0 : i32
    return %c0_i32, %arg0, %c0_i32_0 : i32, i32, i32
  }
}

module attributes {stable_mosaic.version = 14 : i64} {
  func.func @_ro_body(%arg0: i32, %arg1: memref<2x1000x128xf32, #tpu.memory_space<vmem>>, %arg2: memref<2x10x1000xf32, #tpu.memory_space<vmem>>, %arg3: memref<1x256xf32, #tpu.memory_space<vmem>>, %arg4: memref<1000x256xf32, #tpu.memory_space<vmem>>) attributes {dimension_semantics = [#tpu.dimension_semantics<arbitrary>], iteration_bounds = array<i64: 10>, scalar_prefetch = 0 : i64, scratch_operands = 0 : i64, tpu.core_type = #tpu.core_type<tc>, window_params = [{transform_indices = @transform_0, window_bounds = array<i64: 2, 1000, 128>}, {pipeline_mode = #tpu.pipeline_mode<synchronous>, transform_indices = @transform_1, window_bounds = array<i64: 2, 10, 1000>}, {pipeline_mode = #tpu.pipeline_mode<synchronous>, transform_indices = @transform_2, window_bounds = array<i64: 1, 256>}, {transform_indices = @transform_3, window_bounds = array<i64: 1000, 256>}]} {
    %get3A = arith.constant 0 : index
    %get3A_0 = arith.index_cast %arg0 : i32 to index
    %get3A_1 = arith.constant 0 : index
    %get3A_2 = vector.load %arg2[%get3A, %get3A_0, %get3A_1] : memref<2x10x1000xf32, #tpu.memory_space<vmem>>, vector<1x1x1000xf32>
    %get3A_3 = vector.shape_cast %get3A_2 : vector<1x1x1000xf32> to vector<1000xf32>
    %get3A_4 = arith.constant 1 : index
    %get3A_5 = arith.index_cast %arg0 : i32 to index
    %get3A_6 = arith.constant 0 : index
    %get3A_7 = vector.load %arg2[%get3A_4, %get3A_5, %get3A_6] : memref<2x10x1000xf32, #tpu.memory_space<vmem>>, vector<1x1x1000xf32>
    %get3A_8 = vector.shape_cast %get3A_7 : vector<1x1x1000xf32> to vector<1000xf32>
    %add3A = arith.addf %get3A_3, %get3A_8 : vector<1000xf32>
    %add3A_9 = arith.constant 1.000000e+00 : f32
    %add3A_10 = vector.broadcast %add3A_9 : f32 to vector<1000xf32>
    %add3A_11 = arith.addf %add3A, %add3A_10 : vector<1000xf32>
    %rsqrt3A = math.rsqrt %add3A_11 : vector<1000xf32>
    %get3A_12 = arith.constant 0 : index
    %get3A_13 = arith.constant 0 : index
    %get3A_14 = arith.constant 0 : index
    %get3A_15 = vector.load %arg1[%get3A_12, %get3A_13, %get3A_14] : memref<2x1000x128xf32, #tpu.memory_space<vmem>>, vector<1x1000x128xf32>
    %get3A_16 = vector.shape_cast %get3A_15 : vector<1x1000x128xf32> to vector<1000x128xf32>
    %get3A_17 = arith.constant 1 : index
    %get3A_18 = arith.constant 0 : index
    %get3A_19 = arith.constant 0 : index
    %get3A_20 = vector.load %arg1[%get3A_17, %get3A_18, %get3A_19] : memref<2x1000x128xf32, #tpu.memory_space<vmem>>, vector<1x1000x128xf32>
    %get3A_21 = vector.shape_cast %get3A_20 : vector<1x1000x128xf32> to vector<1000x128xf32>
    %concatenate3A = tpu.concatenate %get3A_16, %get3A_21 in 1 : vector<1000x128xf32>, vector<1000x128xf32> -> vector<1000x256xf32>
    %broadcast_in_dim3A = vector.shape_cast %rsqrt3A : vector<1000xf32> to vector<1000x1xf32>
    %mul3A = vector.broadcast %broadcast_in_dim3A : vector<1000x1xf32> to vector<1000x256xf32>
    %mul3A_22 = arith.mulf %concatenate3A, %mul3A : vector<1000x256xf32>
    %get3A_23 = arith.constant 0 : index
    %get3A_24 = arith.constant 0 : index
    %get3A_25 = vector.load %arg3[%get3A_23, %get3A_24] : memref<1x256xf32, #tpu.memory_space<vmem>>, vector<1x256xf32>
    %get3A_26 = vector.shape_cast %get3A_25 : vector<1x256xf32> to vector<256xf32>
    %broadcast_in_dim3A_27 = vector.shape_cast %get3A_26 : vector<256xf32> to vector<1x256xf32>
    %add3A_28 = vector.broadcast %broadcast_in_dim3A_27 : vector<1x256xf32> to vector<1000x256xf32>
    %add3A_29 = arith.addf %mul3A_22, %add3A_28 : vector<1000x256xf32>
    %max3A = arith.constant 0.000000e+00 : f32
    %max3A_30 = vector.broadcast %max3A : f32 to vector<1000x256xf32>
    %max3A_31 = arith.maximumf %add3A_29, %max3A_30 : vector<1000x256xf32>
    %swap3A = arith.constant 0 : index
    %swap3A_32 = arith.constant 0 : index
    %swap3A_33 = vector.load %arg4[%swap3A, %swap3A_32] : memref<1000x256xf32, #tpu.memory_space<vmem>>, vector<1000x256xf32>
    tpu.vector_store %arg4[%swap3A, %swap3A_32], %max3A_31 {strides = array<i32>} : memref<1000x256xf32, #tpu.memory_space<vmem>>, vector<1000x256xf32>,
    return
  }
  func.func @transform_0(%arg0: i32) -> (i32, i32, i32) {
    %c0_i32 = arith.constant 0 : i32
    %c0_i32_0 = arith.constant 0 : i32
    %c0_i32_1 = arith.constant 0 : i32
    return %c0_i32, %arg0, %c0_i32_0 : i32, i32, i32
  }
  func.func @transform_1(%arg0: i32) -> (i32, i32, i32) {
    %c0_i32 = arith.constant 0 : i32
    %c0_i32_0 = arith.constant 0 : i32
    %c0_i32_1 = arith.constant 0 : i32
    %c0_i32_2 = arith.constant 0 : i32
    return %c0_i32, %c0_i32_0, %c0_i32_1 : i32, i32, i32
  }
  func.func @transform_2(%arg0: i32) -> (i32, i32) {
    %c0_i32 = arith.constant 0 : i32
    %c0_i32_0 = arith.constant 0 : i32
    %c0_i32_1 = arith.constant 0 : i32
    return %c0_i32, %c0_i32_0 : i32, i32
  }
  func.func @transform_3(%arg0: i32) -> (i32, i32) {
    %c0_i32 = arith.constant 0 : i32
    %c0_i32_0 = arith.constant 0 : i32
    return %arg0, %c0_i32 : i32, i32
  }
}

</mosaic_0001>

<sc_bundles>
// kernel: kernel.6.cloned.1.call-start
scs
__scs_entry_jumppad:
0x0: {  	(pc) =	sbr.rel $0x88, $3  }
0x1: {  	(tag) =	ssettag $0x0;
	lr =	simm.s32 $0x1  }
0x2: {  	[smem:$0x3F9D] =	sst lr;
	_ =	strace $0xD0000000  }
0x3: {  	_ = 	snop  }
0x4: {  	_ = 	snop  }
0x5: {  	_ = 	snop  }
0x6: {  	_ = 	snop  }
0x7: {  	_ = 	snop  }
__scs_overlays_trampoline_lowered:
0x8: {  	[smem:$0x3FAC] =	sst s0  }
0x9: {  	[smem:$0x3FAD] =	sst s1  }
0xa: {  	[smem:$0x3FAE] =	sst s2  }
0xb: {  	[smem:$0x3FAF] =	sst s3  }
0xc: {  	[smem:$0x3FB0] =	sst s4  }
0xd: {  	[smem:$0x3FB1] =	sst s5  }
0xe: {  	[smem:$0x3FB2] =	sst s6  }
0xf: {  	[smem:$0x3FB3] =	sst s7  }
0x10: {  	[smem:$0x3FB4] =	sst s8  }
0x11: {  	[smem:$0x3FB5] =	sst s9;
	s0 =	simm.s32 @!p0 $0x0  }
0x12: {  	s1 =	sld [smem:$0x3F9B];
	s0 =	simm.s32 @p0 $0x1  }
0x13: {  	[smem:$0x3FB6] =	sst s0;
	s0 =	simm.s32 @!p1 $0x0  }
0x14: {  	s2 =	sld [smem:$0x3F9A];
	s0 =	simm.s32 @p1 $0x1  }
0x15: {  	[smem:$0x3FB7] =	sst s0;
	s0 =	simm.s32 @!p2 $0x0  }
0x16: {  	s3 =	sld [smem:$0x3FDB];
	s0 =	simm.s32 @p2 $0x1  }
0x17: {  	s4 =	simm.s32 $0x1BF5;
	[smem:$0x3FB9] =	sst s0  }
0x18: {  	s0 =	sld [smem:$0x3F9C];
	_ =	swait.ge [sflag:s4], $0x0  }
0x19: {  	s7 =	sld [smem:$0x3F9D]  }
0x1a: {  	s8 =	sadd.s32 $0xFFFFE003, lr  }
0x1b: {  	s9 =	sadd.s32 $0xFFFFFEF7, lr;
	s5 =	simm.s32 $0xFFFFFFFF;
	p2 =	slt.u32 s8, $0xFFFFF086  }
0x1c: {  	p1 =	slt.u32 s9, $0xF7A;
	s5 =	simm.s32 @!p2 $0x0  }
0x1d: {  	s5 =	simm.s32 @p1 $0x1;
	p0 =	seq.s32 s7, s2  }
0x1e: {  	s7 =	smul.u32 @!p0 $0xF7A, s2;
	p2 =	seq.s32 @!p0 s5, $0x0  }
0x1f: {  	s9 =	smul.u32 $0xF7A, s1;
	s8 =	simm.s32 @!p0 $0x1BF5;
	p2 =	por !p2, p0  }
0x20: {  	[sflag:s8] =	ssyncset.s32 @!p0 $0xFFFFF086;
	s6 =	sadd.s32 @!p0 s3, s7;
	s7 =	simm.s32 @!p0 $0x108  }
0x21: {  	s3 =	sadd.s32 s3, s9;
	s6 =	sadd.s32 @!p0 $0x88, s6;
	s7 =	simm.s32 @p2 $0x1082  }
0x22: {  	[simem:s7], [sflag:s8] =	dma.local @!p0 [hbm:s6], $0xF7A  }
0x23: {  	s9 =	sor.u32 $0xD0000000, s2;
	s6 =	simm.s32 $0x108;
	_ =	swait.ge @!p0 [sflag:s8], $0x0  }
0x24: {  	s3 =	sadd.s32 $0x88, s3;
	s6 =	simm.s32 @!p1 $0x1082;
	[sflag:s4] =	ssyncset.s32 $0xFFFFF086  }
0x25: {  	[simem:s6], [sflag:s4] =	dma.local [hbm:s3], $0xF7A  }
0x26: {  	[smem:$0x3F9D] =	sst s1;
	(tag) =	ssettag s2;
	_ =	strace s9  }
0x27: {  	s1 =	sld [smem:$0x3FAD]  }
0x28: {  	s2 =	sld [smem:$0x3FAE]  }
0x29: {  	s4 =	sld [smem:$0x3FB0]  }
0x2a: {  	p0 =	seq.s32 s5, $0x0;
	s5 =	sld [smem:$0x3FB1]  }
0x2b: {  	s6 =	sld [smem:$0x3FB2]  }
0x2c: {  	s7 =	sld [smem:$0x3FB3]  }
0x2d: {  	s3 =	simm.s32 $0x108;
	s8 =	sld [smem:$0x3FB4]  }
0x2e: {  	s3 =	simm.s32 @!p0 $0x1082;
	s9 =	sld [smem:$0x3FB5]  }
0x2f: {  	lr =	sadd.s32 s0, s3;
	s0 =	sld [smem:$0x3FAC]  }
0x30: {  	s3 =	sld [smem:$0x3FAF]  }
0x31: {  	[smem:$0x3FB8] =	sst s10  }
0x32: {  	s10 =	sld [smem:$0x3FB6];
	_ =	sdelay $0x3  }
0x33: {  	p0 =	seq.s32 s10, $0x1;
	s10 =	sld [smem:$0x3FB8];
	_ =	sdelay $0x3  }
0x34: {  	[smem:$0x3FB8] =	sst s10  }
0x35: {  	s10 =	sld [smem:$0x3FB7];
	_ =	sdelay $0x3  }
0x36: {  	p1 =	seq.s32 s10, $0x1;
	s10 =	sld [smem:$0x3FB8];
	_ =	sdelay $0x3  }
0x37: {  	[smem:$0x3FB8] =	sst s10  }
0x38: {  	s10 =	sld [smem:$0x3FB9]  }
0x39: {  	_ = 	snop;
	(pc) =	sbr.ind lr, $3  }
0x3a: {  	_ = 	snop  }
0x3b: {  	_ = 	snop  }
0x3c: {  	p2 =	seq.s32 s10, $0x1;
	s10 =	sld [smem:$0x3FB8]  }
0x3d: {  	_ =	shalt  }
0x3e: {  	_ =	shalt  }
0x3f: {  	_ =	shalt  }
0x40: {  	_ =	shalt  }
0x41: {  	_ =	shalt  }
0x42: {  	_ =	shalt  }
0x43: {  	_ =	shalt  }
0x44: {  	_ =	shalt  }
0x45: {  	_ =	shalt  }
0x46: {  	_ =	shalt  }
0x47: {  	_ =	shalt  }
0x48: {  	_ =	shalt  }
0x49: {  	_ =	shalt  }
0x4a: {  	_ =	shalt  }
0x4b: {  	_ =	shalt  }
0x4c: {  	_ =	shalt  }
0x4d: {  	_ =	shalt  }
0x4e: {  	_ =	shalt  }
0x4f: {  	_ =	shalt  }
0x50: {  	_ =	shalt  }
0x51: {  	_ =	shalt  }
0x52: {  	_ =	shalt  }
0x53: {  	_ =	shalt  }
0x54: {  	_ =	shalt  }
0x55: {  	_ =	shalt  }
0x56: {  	_ =	shalt  }
0x57: {  	_ =	shalt  }
0x58: {  	_ =	shalt  }
0x59: {  	_ =	shalt  }
0x5a: {  	_ =	shalt  }
0x5b: {  	_ =	shalt  }
0x5c: {  	_ =	shalt  }
0x5d: {  	_ =	shalt  }
0x5e: {  	_ =	shalt  }
0x5f: {  	_ =	shalt  }
0x60: {  	_ =	shalt  }
0x61: {  	_ =	shalt  }
0x62: {  	_ =	shalt  }
0x63: {  	_ =	shalt  }
0x64: {  	_ =	shalt  }
0x65: {  	_ =	shalt  }
0x66: {  	_ =	shalt  }
0x67: {  	_ =	shalt  }
0x68: {  	_ =	shalt  }
0x69: {  	_ =	shalt  }
0x6a: {  	_ =	shalt  }
0x6b: {  	_ =	shalt  }
0x6c: {  	_ =	shalt  }
0x6d: {  	_ =	shalt  }
0x6e: {  	_ =	shalt  }
0x6f: {  	_ =	shalt  }
0x70: {  	_ =	shalt  }
0x71: {  	_ =	shalt  }
0x72: {  	_ =	shalt  }
0x73: {  	_ =	shalt  }
0x74: {  	_ =	shalt  }
0x75: {  	_ =	shalt  }
0x76: {  	_ =	shalt  }
0x77: {  	_ =	shalt  }
0x78: {  	_ =	shalt  }
0x79: {  	_ =	shalt  }
0x7a: {  	_ =	shalt  }
0x7b: {  	_ =	shalt  }
0x7c: {  	_ =	shalt  }
0x7d: {  	_ =	shalt  }
0x7e: {  	_ =	shalt  }
0x7f: {  	_ =	shalt  }
0x80: {  	_ =	shalt  }
0x81: {  	_ =	shalt  }
0x82: {  	_ =	shalt  }
0x83: {  	_ =	shalt  }
0x84: {  	_ =	shalt  }
0x85: {  	_ =	shalt  }
0x86: {  	_ =	shalt  }
0x87: {  	_ =	shalt  }
.Lfunc_end0:
.L_simem_size_0:
called_computation_lowered:
.L_overlay_start_0:
0x88: {  	s2 =	sld [smem:$0x3FD9]  }
0x89: {  	s3 =	sld [smem:$0x3FFE];
	_ =	sdelay $0x1  }
0x8a: {  	s1 =	srdreg.scid  }
0x8b: {  	s0 =	sand.u32 $0x1, s1  }
0x8c: {  	s17 =	sshll.u32 s0, $0xA;
	s2 =	sadd.s32 s3, s2  }
0x8d: {  	s2 =	sadd.s32 s2, s17  }
0x8e: {  	[smem:$0x3FC4] =	sst s2  }
0x8f: {  	_ = 	snop  }
0x90: {  	s2 =	sld [smem:$0x3FD0];
	(tm) =	ssettm $0x1  }
0x91: {  	s18 =	sld [smem:$0x3FFB];
	_ =	sdelay $0x3  }
0x92: {  	_ =	strace s18  }
0x93: {  	s3 =	sld [smem:$0x3FFC];
	_ =	sdelay $0x3  }
0x94: {  	_ =	strace s3  }
0x95: {  	s3 =	sld [smem:$0x3FFD];
	_ =	sdelay $0x3  }
0x96: {  	_ =	strace s3  }
0x97: {  	_ =	strace $0x8FFFFFFF  }
0x98: {  	s19 =	sld [smem:$0x3FDB];
	_ =	sdelay $0x1  }
0x99: {  	s4 =	simm.s32 $_scs_section_size  }
0x9a: {  	s5 =	simm.s32 $_size__tile_overlayer_lowered;
	s6 =	simm.s32 $_tile_overlayer_lowered  }
0x9b: {  	s22 =	simm.s32 $0x1BFF;
	s21 =	sshll.u32 s6, $0x1;
	s3 =	sadd.s32 s4, s19  }
0x9c: {  	s7 =	simm.s32 $0x0;
	s20 =	sshll.u32 s5, $0x1;
	s5 =	sadd.s32 s21, s3  }
0x9d: {  	[timem:s7], [sflag:s22] =	dma.local [hbm:s5], s20  }
0x9e: {  	_ =	swait.ge [sflag:s22], s20  }
0x9f: {  	s4 =	ssub.s32 $0x0, s20;
	[sflag:s22] =	ssyncset.done $0x0  }
0xa0: {  	[sflag:s22] =	ssyncadd.s32 s4;
	_ =	sdelay $0x1  }
0xa1: {  	s23 =	simm.s32 $0x1B8B  }
0xa2: {  	_ =	swait.ge [sflag:s23], $0x1  }
0xa3: {  	[sflag:s23] =	ssyncset.done $0x0  }
0xa4: {  	s25 =	simm.s32 $0x1B8E;
	s24 =	sld [smem:$0x3FFE];
	[sflag:s23] =	ssyncadd.s32 $0xFFFFFFFF  }
0xa5: {  	s26 =	simm.s32 $execute0_lowered;
	[smem:$0x3FD2] =	sst s25  }
0xa6: {  	s5 =	sshll.u32 s26, $0x1;
	_ =	strace $0x80000046;
	[dreg:$0x1] =	wrdreg $0xFFFFFFFF  }
0xa7: {  	s28 =	simm.s32 $_size_execute0_lowered;
	s3 =	sadd.s32 s3, s5;
	[dreg:$0x0] =	wrdreg $0x0  }
0xa8: {  	s5 =	sshll.u32 s28, $0x1;
	[dreg:$0x2] =	wrdreg s3  }
0xa9: {  	[dreg:$0x3] =	wrdreg s5  }
0xaa: {  	[dreg:$0x4] =	wrdreg $0xC0  }
0xab: {  	_ =	task [dreg:s7], $0x5FFFF  }
0xac: {  	[dreg:$0x1] =	wrdreg $0xFFFFFFFF  }
0xad: {  	[dreg:$0x0] =	wrdreg $0x60  }
0xae: {  	[dreg:$0x2] =	wrdreg s24  }
0xaf: {  	[dreg:$0x3] =	wrdreg s2  }
0xb0: {  	[dreg:$0x4] =	wrdreg $0x0  }
0xb1: {  	[dreg:$0x5] =	wrdreg $0x9  }
0xb2: {  	_ =	task.clear_ibuf [dreg:s7], $0x6FFFF;
	_ =	strace $0x90000046  }
0xb3: {  	s29 =	simm.s32 $0x9;
	_ =	strace $0x80000048  }
0xb4: {  	_ =	swait.ge [sflag:s29], $0x1  }
0xb5: {  	[sflag:s29] =	ssyncadd.s32 $0xFFFFFFFF  }
0xb6: {  	_ =	strace $0x90000048  }
0xb7: {  	_ =	sfence  }
0xb8: {  	s30 =	sld [smem:$0x0];
	_ =	sdelay $0x2  }
0xb9: {  	s31 =	sshll.u32 s1, $0xD;
	s1 =	sshrl.u32 s1, $0x2  }
0xba: {  	s3 =	sand.u32 $0x4000, s31;
	s1 =	sadd.s32 s1, s30  }
0xbb: {  	s0 =	sor.u32 s3, s0;
	s1 =	sshll.u32 s1, $0x11  }
0xbc: {  	s0 =	sor.u32 s1, s0  }
0xbd: {  	s0 =	sadd.s32 $0x8F2B, s0  }
0xbe: {  	[sflag:s0] =	ssyncadd.remote.s32 $0x1  }
0xbf: {  	_ =	sfence.sel $0xFFFF  }
0xc0: {  	[dreg:$0x0] =	wrdreg $0xFFFFFFFF;
	(pc) =	sbr.abs _section_cstart, $3  }
0xc1: {  	[dreg:$0x1] =	wrdreg $0xFFFFFFFF  }
0xc2: {  	_ =	task.clear_ibuf [dreg:s7], $0x2FFFF;
	_ =	strace $0x9FFFFFFF  }
0xc3: {  	(tm) =	ssettm $0x7FFFFFFF  }
tec
execute0_lowered:
.L_overlay_start_1:
0x0: {  	(tag) =	ssettag $0x1  }
0x1: {  	s4 =	rddreg [dreg:$0x0]  }
0x2: {  	s0 =	srdreg.scid;
	s7 =	rddreg [dreg:$0x1]  }
0x3: {  	s2 =	rddreg [dreg:$0x2];
	s1 =	stileid.u32;
	s3 =	simm.s32 $0x0  }
0x4: {  	s12 =	simm.s32 $0x280;
	s13 =	simm.s32 $0x40;
	s14 =	simm.s32 $0x1900  }
0x5: {  	s15 =	simm.s32 $0x500;
	s16 =	simm.s32 $0x1980;
	s17 =	simm.s32 $0x1  }
0x6: {  	s18 =	simm.s32 $0x2;
	s5 =	sand.u32 $0x1, s0;
	s0 =	rddreg [dreg:$0x3]  }
0x7: {  	[smem:$0x7FF] =	sst s3;
	s8 =	sadd.s32 $0x1200, s4;
	s10 =	smul.u32 $0x280, s1  }
0x8: {  	s11 =	sshll.u32 s1, $0x3;
	p1 =	seq.s32 s1, $0xF;
	s6 =	sshll.u32 s5, $0x4  }
0x9: {  	_ =	strace $0x80000047;
	s25 =	ssub.s32 $0x2, s5;
	s28 =	smul.u32 $0x2710, s5  }
0xa: {  	s19 =	sor.u32 s1, s6;
	s9 =	sshrl.u32 s25, $0x1;
	s5 =	sadd.s32 s10, s2  }
0xb: {  	s6 =	smul.u32 $0x1380, s19;
	s9 =	ssub.s32 s25, s9;
	s10 =	sadd.s32 s10, s28  }
0xc: {  	s29 =	sshrl.u32 s28, $0x3;
	p0 =	sgt.u32 s19, $0x3;
	s19 =	simm.s32 $0x0  }
0xd: {  	s30 =	sshrl.u32 s10, $0x3;
	s31 =	sadd.s32 s7, s29;
	s9 =	smax.u32 s9, $0x1  }
0xe: {  	s10 =	simm.s32 $0x580;
	s6 =	sshrl.u32 s6, $0x3;
	s7 =	sadd.s32 s7, s30  }
0xf: {  	s26 =	sadd.s32 s8, s6;
	s8 =	sadd.s32 s11, s8;
	s11 =	simm.s32 $0x3  }
0x10: {  	v0 =	vimm.f32 $1.000000000e+00;
	v1 =	vimm.f32 $0.0e+00;
	s4 =	sadd.s32 $0x4E20, s26;
	s6 =	sadd.s32 $0x9C20, s8;
	s8 =	sadd.s32 $0x4B0, s31  }
.LBB2_1:
0x11: {  	[tilespmem:s10], [sflag:$0x3] =	stream.linear.gather [hbm4b:s4+s3], $0x1380, $0x38;
	[tilespmem:$0x1A00] =	vst v63  }
0x12: {  	_ =	swait.ge [sflag:s11], $0x1380  }
0x13: {  	[sflag:s11] =	ssyncset.done $0x0  }
0x14: {  	[sflag:s11] =	ssyncadd.s32 $0xFFFFEC80  }
0x15: {  	[tilespmem:$0x500] =	vst v0  }
0x16: {  	[tilespmem:$0x510] =	vst v0  }
0x17: {  	[tilespmem:$0x520] =	vst v0  }
0x18: {  	[tilespmem:$0x530] =	vst v0  }
0x19: {  	[tilespmem:$0x280] =	vst v1  }
0x1a: {  	[tilespmem:$0x290] =	vst v1  }
0x1b: {  	[tilespmem:$0x2A0] =	vst v1  }
0x1c: {  	[tilespmem:$0x2B0] =	vst v1  }
0x1d: {  	[tilespmem:$0x2C0] =	vst v1  }
0x1e: {  	[tilespmem:$0x2D0] =	vst v1  }
0x1f: {  	[tilespmem:$0x2E0] =	vst v1  }
0x20: {  	[tilespmem:$0x2F0] =	vst v1  }
0x21: {  	[tilespmem:$0x300] =	vst v1  }
0x22: {  	[tilespmem:$0x310] =	vst v1  }
0x23: {  	[tilespmem:$0x320] =	vst v1  }
0x24: {  	[tilespmem:$0x330] =	vst v1  }
0x25: {  	[tilespmem:$0x340] =	vst v1  }
0x26: {  	[tilespmem:$0x350] =	vst v1  }
0x27: {  	[tilespmem:$0x360] =	vst v1  }
0x28: {  	[tilespmem:$0x370] =	vst v1  }
0x29: {  	[tilespmem:$0x380] =	vst v1  }
0x2a: {  	[tilespmem:$0x390] =	vst v1  }
0x2b: {  	[tilespmem:$0x3A0] =	vst v1  }
0x2c: {  	[tilespmem:$0x3B0] =	vst v1  }
0x2d: {  	[tilespmem:$0x3C0] =	vst v1  }
0x2e: {  	[tilespmem:$0x3D0] =	vst v1  }
0x2f: {  	[tilespmem:$0x3E0] =	vst v1  }
0x30: {  	[tilespmem:$0x3F0] =	vst v1  }
0x31: {  	[tilespmem:$0x400] =	vst v1  }
0x32: {  	[tilespmem:$0x410] =	vst v1  }
0x33: {  	[tilespmem:$0x420] =	vst v1  }
0x34: {  	[tilespmem:$0x430] =	vst v1  }
0x35: {  	[tilespmem:$0x440] =	vst v1  }
0x36: {  	[tilespmem:$0x450] =	vst v1  }
0x37: {  	[tilespmem:$0x460] =	vst v1  }
0x38: {  	[tilespmem:$0x470] =	vst v1  }
0x39: {  	[tilespmem:$0x480] =	vst v1  }
0x3a: {  	[tilespmem:$0x490] =	vst v1  }
0x3b: {  	[tilespmem:$0x4A0] =	vst v1  }
0x3c: {  	[tilespmem:$0x4B0] =	vst v1  }
0x3d: {  	[tilespmem:$0x4C0] =	vst v1  }
0x3e: {  	[tilespmem:$0x4D0] =	vst v1  }
0x3f: {  	[tilespmem:$0x4E0] =	vst v1  }
0x40: {  	[tilespmem:$0x4F0] =	vst v1  }
0x41: {  	[spmem:s5] =	stream.linear.scatter [tilespmem:s12], [sflag:$0x3], $0x280, $0x38;
	[tilespmem:$0x1A00] =	vst v63  }
0x42: {  	_ =	swait.ge [sflag:s11], $0x280  }
0x43: {  	[sflag:s11] =	ssyncset.done $0x0  }
0x44: {  	[sflag:s11] =	ssyncadd.s32 $0xFFFFFD80  }
0x45: {  	[bflag:$0x0] =	sbarrier.arrive $0xFFFF  }
0x46: {  	v2 =	vld [tilespmem:$0x580]  }
0x47: {  	v3 =	vld [tilespmem:$0x590]  }
0x48: {  	v4 =	vld [tilespmem:$0x5A0]  }
0x49: {  	v5 =	vld [tilespmem:$0x5B0];
	_ =	sdelay $0x1  }
0x4a: {  	[tilespmem:$0x1900] =	vst v2  }
0x4b: {  	[tilespmem:$0x1910] =	vst v3  }
0x4c: {  	[tilespmem:$0x1920] =	vst v4  }
0x4d: {  	s20 =	simm.s32 $0x0;
	[tilespmem:$0x1930] =	vst v5  }
0x4e: {  	[spmem:s2] =	stream.indirect.scatter.add.f32 [tilespmem:s15], [sflag:$0x1], $0x1, s14, s13, $0xb8;
	[tilespmem:$0x1A00] =	vst v63  }
0x4f: {  	v2 =	vld [tilespmem:s20+$0x5C0];
	_ =	sdelay $0x4  }
0x50: {  	[tilespmem:$0x1980] =	vst v2  }
0x51: {  	v2 =	vld [tilespmem:s20+$0x5D0];
	_ =	sdelay $0x4  }
0x52: {  	[tilespmem:$0x1990] =	vst v2  }
0x53: {  	v2 =	vld [tilespmem:s20+$0x5E0];
	_ =	sdelay $0x4  }
0x54: {  	[tilespmem:$0x19A0] =	vst v2  }
0x55: {  	v2 =	vld [tilespmem:s20+$0x5F0];
	_ =	sdelay $0x4  }
0x56: {  	[tilespmem:$0x19B0] =	vst v2  }
0x57: {  	[spmem:s2] =	stream.indirect.scatter.add.f32 [tilespmem:s15], [sflag:$0x2], $0x1, s16, s13, $0xb8;
	[tilespmem:$0x1A00] =	vst v63  }
0x58: {  	_ =	swait.ge [sflag:s17], $0x40  }
0x59: {  	[sflag:s17] =	ssyncset.done $0x0  }
0x5a: {  	[sflag:s17] =	ssyncadd.s32 $0xFFFFFFC0  }
0x5b: {  	v2 =	vld [tilespmem:s20+$0x600];
	_ =	sdelay $0x4  }
0x5c: {  	[tilespmem:$0x1900] =	vst v2  }
0x5d: {  	v2 =	vld [tilespmem:s20+$0x610];
	_ =	sdelay $0x4  }
0x5e: {  	[tilespmem:$0x1910] =	vst v2  }
0x5f: {  	v2 =	vld [tilespmem:s20+$0x620];
	_ =	sdelay $0x4  }
0x60: {  	[tilespmem:$0x1920] =	vst v2  }
0x61: {  	v2 =	vld [tilespmem:s20+$0x630];
	_ =	sdelay $0x4  }
0x62: {  	[tilespmem:$0x1930] =	vst v2  }
0x63: {  	[spmem:s2] =	stream.indirect.scatter.add.f32 [tilespmem:s15], [sflag:$0x1], $0x1, s14, s13, $0xb8;
	[tilespmem:$0x1A00] =	vst v63  }
0x64: {  	_ =	swait.ge [sflag:s18], $0x40  }
0x65: {  	s23 =	simm.s32 $0x400;
	s20 =	simm.s32 $0x200;
	[sflag:s18] =	ssyncset.done $0x0  }
.LBB2_2:
0x66: {  	s22 =	sshra.s32 s20, $0x2  }
0x67: {  	[sflag:s18] =	ssyncadd.s32 $0xFFFFFFC0;
	s20 =	smov.u32 s23;
	s21 =	sadd.s32 $0x200, s23  }
0x68: {  	p2 =	sne.s32 s23, $0x4A00;
	v2 =	vld [tilespmem:s22+$0x5C0];
	_ =	sdelay $0x4  }
0x69: {  	[tilespmem:$0x1980] =	vst v2  }
0x6a: {  	v2 =	vld [tilespmem:s22+$0x5D0];
	_ =	sdelay $0x4  }
0x6b: {  	[tilespmem:$0x1990] =	vst v2  }
0x6c: {  	v2 =	vld [tilespmem:s22+$0x5E0];
	_ =	sdelay $0x4  }
0x6d: {  	[tilespmem:$0x19A0] =	vst v2  }
0x6e: {  	v2 =	vld [tilespmem:s22+$0x5F0];
	_ =	sdelay $0x4  }
0x6f: {  	[tilespmem:$0x19B0] =	vst v2  }
0x70: {  	[spmem:s2] =	stream.indirect.scatter.add.f32 [tilespmem:s15], [sflag:$0x2], $0x1, s16, s13, $0xb8;
	[tilespmem:$0x1A00] =	vst v63  }
0x71: {  	_ =	swait.ge [sflag:s17], $0x40  }
0x72: {  	[sflag:s17] =	ssyncset.done $0x0  }
0x73: {  	[sflag:s17] =	ssyncadd.s32 $0xFFFFFFC0  }
0x74: {  	v2 =	vld [tilespmem:s22+$0x600];
	_ =	sdelay $0x4  }
0x75: {  	[tilespmem:$0x1900] =	vst v2  }
0x76: {  	v2 =	vld [tilespmem:s22+$0x610];
	_ =	sdelay $0x4  }
0x77: {  	[tilespmem:$0x1910] =	vst v2  }
0x78: {  	v2 =	vld [tilespmem:s22+$0x620];
	_ =	sdelay $0x4  }
0x79: {  	[tilespmem:$0x1920] =	vst v2  }
0x7a: {  	v2 =	vld [tilespmem:s22+$0x630];
	_ =	sdelay $0x3  }
.Ltmp0:
0x7b: {  	(pc) =	sbr.rel @p2 .LBB2_2-.Ltmp0, $4  }
0x7c: {  	[tilespmem:$0x1930] =	vst v2  }
0x7d: {  	[spmem:s2] =	stream.indirect.scatter.add.f32 [tilespmem:s15], [sflag:$0x1], $0x1, s14, s13, $0xb8;
	[tilespmem:$0x1A00] =	vst v63  }
0x7e: {  	_ =	swait.ge [sflag:s18], $0x40  }
0x7f: {  	s23 =	smov.u32 s21;
	[sflag:s18] =	ssyncset.done $0x0  }
0x80: {  	s20 =	sshra.s32 s20, $0x2;
	[sflag:s18] =	ssyncadd.s32 $0xFFFFFFC0  }
0x81: {  	v2 =	vld [tilespmem:s20+$0x5C0];
	_ =	sdelay $0x4  }
0x82: {  	[tilespmem:$0x1980] =	vst v2  }
0x83: {  	v2 =	vld [tilespmem:s20+$0x5D0];
	_ =	sdelay $0x4  }
0x84: {  	[tilespmem:$0x1990] =	vst v2  }
0x85: {  	v2 =	vld [tilespmem:s20+$0x5E0];
	_ =	sdelay $0x4  }
0x86: {  	[tilespmem:$0x19A0] =	vst v2  }
0x87: {  	v2 =	vld [tilespmem:s20+$0x5F0];
	_ =	sdelay $0x4  }
0x88: {  	[tilespmem:$0x19B0] =	vst v2  }
0x89: {  	[spmem:s2] =	stream.indirect.scatter.add.f32 [tilespmem:s15], [sflag:$0x2], $0x1, s16, s13, $0xb8;
	[tilespmem:$0x1A00] =	vst v63  }
0x8a: {  	_ =	swait.ge [sflag:s17], $0x40  }
0x8b: {  	[sflag:s17] =	ssyncset.done $0x0  }
0x8c: {  	[sflag:s17] =	ssyncadd.s32 $0xFFFFFFC0  }
0x8d: {  	v2 =	vld [tilespmem:s20+$0x600];
	_ =	sdelay $0x4  }
0x8e: {  	[tilespmem:$0x1900] =	vst v2  }
0x8f: {  	v2 =	vld [tilespmem:s20+$0x610];
	_ =	sdelay $0x4  }
0x90: {  	[tilespmem:$0x1910] =	vst v2  }
0x91: {  	v2 =	vld [tilespmem:s20+$0x620];
	_ =	sdelay $0x4  }
0x92: {  	[tilespmem:$0x1920] =	vst v2  }
0x93: {  	v2 =	vld [tilespmem:s20+$0x630];
	_ =	sdelay $0x4  }
0x94: {  	[tilespmem:$0x1930] =	vst v2  }
0x95: {  	[spmem:s2] =	stream.indirect.scatter.add.f32 [tilespmem:s15], [sflag:$0x1], $0x1, s14, s13, $0xb8;
	[tilespmem:$0x1A00] =	vst v63  }
0x96: {  	_ =	swait.ge [sflag:s18], $0x40  }
0x97: {  	[sflag:s18] =	ssyncset.done $0x0  }
0x98: {  	[sflag:s18] =	ssyncadd.s32 $0xFFFFFFC0  }
0x99: {  	_ =	swait.ge [sflag:s17], $0x40  }
0x9a: {  	[sflag:s17] =	ssyncset.done $0x0  }
0x9b: {  	[sflag:s17] =	ssyncadd.s32 $0xFFFFFFC0  }
0x9c: {  	v2 =	vld [tilespmem:$0x18C0]  }
0x9d: {  	v3 =	vld [tilespmem:$0x18D0]  }
0x9e: {  	v4 =	vld [tilespmem:$0x18E0]  }
0x9f: {  	v5 =	vld [tilespmem:$0x18F0];
	_ =	sdelay $0x1  }
0xa0: {  	[tilespmem:$0x1900] =	vst v2  }
0xa1: {  	[tilespmem:$0x1910] =	vst v3  }
0xa2: {  	[tilespmem:$0x1920] =	vst v4  }
0xa3: {  	[tilespmem:$0x1930] =	vst v5  }
0xa4: {  	[spmem:s2] =	stream.indirect.scatter.add.f32 [tilespmem:s15], [sflag:$0x3], $0x1, s14, s13, $0xb8;
	[tilespmem:$0x1A00] =	vst v63  }
0xa5: {  	_ =	swait.ge [sflag:s11], $0x40  }
0xa6: {  	[sflag:s11] =	ssyncset.done $0x0  }
0xa7: {  	s21 =	simm.s32 @!p0 $0x1900;
	s20 =	simm.s32 @!p0 $0x0;
	[sflag:s11] =	ssyncadd.s32 $0xFFFFFFC0  }
0xa8: {  	[tilespmem:s21], [sflag:$0x3] =	stream.linear.gather @!p0 [hbm4b:s6+s20], $0x40, $0x38;
	[tilespmem:$0x1A00] =	vst v63  }
0xa9: {  	s20 =	simm.s32 @!p0 $0x3  }
0xaa: {  	_ =	swait.ge @!p0 [sflag:s20], $0x40  }
0xab: {  	[sflag:s20] =	ssyncset.done @!p0 $0x0  }
0xac: {  	s22 =	simm.s32 @!p0 $0x40;
	s23 =	simm.s32 @!p0 $0x500;
	[sflag:s20] =	ssyncadd.s32 @!p0 $0xFFFFFFC0  }
0xad: {  	[spmem:s2] =	stream.indirect.scatter.add.f32 @!p0 [tilespmem:s23], [sflag:$0x3], $0x1, s21, s22, $0xb8;
	[tilespmem:$0x1A00] =	vst v63  }
0xae: {  	_ =	swait.ge @!p0 [sflag:s20], $0x40  }
0xaf: {  	[sflag:s20] =	ssyncset.done @!p0 $0x0  }
0xb0: {  	[sflag:s20] =	ssyncadd.s32 @!p0 $0xFFFFFFC0  }
0xb1: {  	[bflag:$0x0] =	sbarrier.arrive $0xFFFF  }
0xb2: {  	[tilespmem:s12], [sflag:$0x3] =	stream.linear.gather [spmem:s5], $0x280, $0x38;
	[tilespmem:$0x1A00] =	vst v63  }
0xb3: {  	_ =	swait.ge [sflag:s11], $0x280  }
0xb4: {  	[sflag:s11] =	ssyncset.done $0x0  }
0xb5: {  	s21 =	simm.s32 @p1 $0x280;
	s20 =	simm.s32 @p1 $0x0;
	[sflag:s11] =	ssyncadd.s32 $0xFFFFFD80  }
0xb6: {  	[hbm4b:s8+s20] =	stream.linear.scatter @p1 [tilespmem:s21], [sflag:$0x3], $0x190, $0x38;
	[tilespmem:$0x1A00] =	vst v63  }
0xb7: {  	s20 =	simm.s32 @p1 $0x3  }
0xb8: {  	s19 =	sadd.s32 $0x1, s19;
	_ =	swait.ge @p1 [sflag:s20], $0x190  }
0xb9: {  	p2 =	sne.s32 s19, s9;
	[sflag:s20] =	ssyncset.done @p1 $0x0  }
0xba: {  	s21 =	simm.s32 @!p1 $0x280;
	[sflag:s20] =	ssyncadd.s32 @p1 $0xFFFFFE70;
	s20 =	simm.s32 @!p1 $0x0  }
0xbb: {  	[hbm4b:s7+s20] =	stream.linear.scatter @!p1 [tilespmem:s21], [sflag:$0x3], $0x280, $0x38;
	[tilespmem:$0x1A00] =	vst v63  }
.Ltmp1:
0xbc: {  	_ = 	snop;
	(pc) =	sbr.rel @p2 .LBB2_1-.Ltmp1, $4  }
0xbd: {  	s20 =	simm.s32 @!p1 $0x3  }
0xbe: {  	_ =	swait.ge @!p1 [sflag:s20], $0x280  }
0xbf: {  	[sflag:s20] =	ssyncset.done @!p1 $0x0  }
0xc0: {  	[sflag:s20] =	ssyncadd.s32 @!p1 $0xFFFFFD80  }
0xc1: {  	_ =	sfence.sel $0x180000  }
0xc2: {  	[bflag:$0x0] =	sbarrier.arrive $0xFFFF  }
0xc3: {  	p0 =	sne.s32 s1, $0x0;
	_ =	strace $0x90000047  }
0xc4: {  	s0 =	sadd.s32 @!p0 $0x100000, s0;
	[bflag:$0x2] =	sbarrier.arrive $0xFFFF  }
0xc5: {  	[sflag:s0] =	ssyncadd.tile.s32 @!p0 $0x1;
	_ =	shalt  }
.Lfunc_end2:
_tile_overlayer_lowered:
.L_overlay_start_2:
0xc6: {  	(tag) =	ssettag $0x2  }
0xc7: {  	s0 =	rddreg [dreg:$0x0];
	s2 =	stileid.u32  }
0xc8: {  	s1 =	rddreg [dreg:$0x1];
	p0 =	sne.s32 s2, $0x0  }
0xc9: {  	s3 =	rddreg [dreg:$0x2];
	[bflag:$0x3] =	sbarrier.arrive $0xFFFF;
	s2 =	simm.s32 @!p0 $0x1C03  }
0xca: {  	[timem:s3], [sflag:s2] =	dma.local @!p0 [hbm:s0], s1  }
0xcb: {  	s0 =	simm.s32 @!p0 $0x3  }
0xcc: {  	_ =	swait.ge @!p0 [sflag:s0], s1  }
0xcd: {  	s1 =	ssub.s32 @!p0 $0x0, s1;
	[sflag:s0] =	ssyncset.done @!p0 $0x0  }
0xce: {  	[sflag:s0] =	ssyncadd.s32 @!p0 s1  }
0xcf: {  	[bflag:$0x3] =	sbarrier.arrive $0xFFFF  }
0xd0: {  	_ =	shalt  }

// kernel: kernel.9.cloned.1.call-start
scs
__scs_entry_jumppad:
0x0: {  	(pc) =	sbr.rel $0x88, $3  }
0x1: {  	(tag) =	ssettag $0x0;
	lr =	simm.s32 $0x1  }
0x2: {  	[smem:$0x3F9D] =	sst lr;
	_ =	strace $0xD0000000  }
0x3: {  	_ = 	snop  }
0x4: {  	_ = 	snop  }
0x5: {  	_ = 	snop  }
0x6: {  	_ = 	snop  }
0x7: {  	_ = 	snop  }
__scs_overlays_trampoline_lowered:
0x8: {  	[smem:$0x3FAC] =	sst s0  }
0x9: {  	[smem:$0x3FAD] =	sst s1  }
0xa: {  	[smem:$0x3FAE] =	sst s2  }
0xb: {  	[smem:$0x3FAF] =	sst s3  }
0xc: {  	[smem:$0x3FB0] =	sst s4  }
0xd: {  	[smem:$0x3FB1] =	sst s5  }
0xe: {  	[smem:$0x3FB2] =	sst s6  }
0xf: {  	[smem:$0x3FB3] =	sst s7  }
0x10: {  	[smem:$0x3FB4] =	sst s8  }
0x11: {  	[smem:$0x3FB5] =	sst s9;
	s0 =	simm.s32 @!p0 $0x0  }
0x12: {  	s1 =	sld [smem:$0x3F9B];
	s0 =	simm.s32 @p0 $0x1  }
0x13: {  	[smem:$0x3FB6] =	sst s0;
	s0 =	simm.s32 @!p1 $0x0  }
0x14: {  	s2 =	sld [smem:$0x3F9A];
	s0 =	simm.s32 @p1 $0x1  }
0x15: {  	[smem:$0x3FB7] =	sst s0;
	s0 =	simm.s32 @!p2 $0x0  }
0x16: {  	s3 =	sld [smem:$0x3FDB];
	s0 =	simm.s32 @p2 $0x1  }
0x17: {  	s4 =	simm.s32 $0x1BF5;
	[smem:$0x3FB9] =	sst s0  }
0x18: {  	s0 =	sld [smem:$0x3F9C];
	_ =	swait.ge [sflag:s4], $0x0  }
0x19: {  	s7 =	sld [smem:$0x3F9D]  }
0x1a: {  	s8 =	sadd.s32 $0xFFFFE003, lr  }
0x1b: {  	s9 =	sadd.s32 $0xFFFFFEF7, lr;
	s5 =	simm.s32 $0xFFFFFFFF;
	p2 =	slt.u32 s8, $0xFFFFF086  }
0x1c: {  	p1 =	slt.u32 s9, $0xF7A;
	s5 =	simm.s32 @!p2 $0x0  }
0x1d: {  	s5 =	simm.s32 @p1 $0x1;
	p0 =	seq.s32 s7, s2  }
0x1e: {  	s7 =	smul.u32 @!p0 $0xF7A, s2;
	p2 =	seq.s32 @!p0 s5, $0x0  }
0x1f: {  	s9 =	smul.u32 $0xF7A, s1;
	s8 =	simm.s32 @!p0 $0x1BF5;
	p2 =	por !p2, p0  }
0x20: {  	[sflag:s8] =	ssyncset.s32 @!p0 $0xFFFFF086;
	s6 =	sadd.s32 @!p0 s3, s7;
	s7 =	simm.s32 @!p0 $0x108  }
0x21: {  	s3 =	sadd.s32 s3, s9;
	s6 =	sadd.s32 @!p0 $0x88, s6;
	s7 =	simm.s32 @p2 $0x1082  }
0x22: {  	[simem:s7], [sflag:s8] =	dma.local @!p0 [hbm:s6], $0xF7A  }
0x23: {  	s9 =	sor.u32 $0xD0000000, s2;
	s6 =	simm.s32 $0x108;
	_ =	swait.ge @!p0 [sflag:s8], $0x0  }
0x24: {  	s3 =	sadd.s32 $0x88, s3;
	s6 =	simm.s32 @!p1 $0x1082;
	[sflag:s4] =	ssyncset.s32 $0xFFFFF086  }
0x25: {  	[simem:s6], [sflag:s4] =	dma.local [hbm:s3], $0xF7A  }
0x26: {  	[smem:$0x3F9D] =	sst s1;
	(tag) =	ssettag s2;
	_ =	strace s9  }
0x27: {  	s1 =	sld [smem:$0x3FAD]  }
0x28: {  	s2 =	sld [smem:$0x3FAE]  }
0x29: {  	s4 =	sld [smem:$0x3FB0]  }
0x2a: {  	p0 =	seq.s32 s5, $0x0;
	s5 =	sld [smem:$0x3FB1]  }
0x2b: {  	s6 =	sld [smem:$0x3FB2]  }
0x2c: {  	s7 =	sld [smem:$0x3FB3]  }
0x2d: {  	s3 =	simm.s32 $0x108;
	s8 =	sld [smem:$0x3FB4]  }
0x2e: {  	s3 =	simm.s32 @!p0 $0x1082;
	s9 =	sld [smem:$0x3FB5]  }
0x2f: {  	lr =	sadd.s32 s0, s3;
	s0 =	sld [smem:$0x3FAC]  }
0x30: {  	s3 =	sld [smem:$0x3FAF]  }
0x31: {  	[smem:$0x3FB8] =	sst s10  }
0x32: {  	s10 =	sld [smem:$0x3FB6];
	_ =	sdelay $0x3  }
0x33: {  	p0 =	seq.s32 s10, $0x1;
	s10 =	sld [smem:$0x3FB8];
	_ =	sdelay $0x3  }
0x34: {  	[smem:$0x3FB8] =	sst s10  }
0x35: {  	s10 =	sld [smem:$0x3FB7];
	_ =	sdelay $0x3  }
0x36: {  	p1 =	seq.s32 s10, $0x1;
	s10 =	sld [smem:$0x3FB8];
	_ =	sdelay $0x3  }
0x37: {  	[smem:$0x3FB8] =	sst s10  }
0x38: {  	s10 =	sld [smem:$0x3FB9]  }
0x39: {  	_ = 	snop;
	(pc) =	sbr.ind lr, $3  }
0x3a: {  	_ = 	snop  }
0x3b: {  	_ = 	snop  }
0x3c: {  	p2 =	seq.s32 s10, $0x1;
	s10 =	sld [smem:$0x3FB8]  }
0x3d: {  	_ =	shalt  }
0x3e: {  	_ =	shalt  }
0x3f: {  	_ =	shalt  }
0x40: {  	_ =	shalt  }
0x41: {  	_ =	shalt  }
0x42: {  	_ =	shalt  }
0x43: {  	_ =	shalt  }
0x44: {  	_ =	shalt  }
0x45: {  	_ =	shalt  }
0x46: {  	_ =	shalt  }
0x47: {  	_ =	shalt  }
0x48: {  	_ =	shalt  }
0x49: {  	_ =	shalt  }
0x4a: {  	_ =	shalt  }
0x4b: {  	_ =	shalt  }
0x4c: {  	_ =	shalt  }
0x4d: {  	_ =	shalt  }
0x4e: {  	_ =	shalt  }
0x4f: {  	_ =	shalt  }
0x50: {  	_ =	shalt  }
0x51: {  	_ =	shalt  }
0x52: {  	_ =	shalt  }
0x53: {  	_ =	shalt  }
0x54: {  	_ =	shalt  }
0x55: {  	_ =	shalt  }
0x56: {  	_ =	shalt  }
0x57: {  	_ =	shalt  }
0x58: {  	_ =	shalt  }
0x59: {  	_ =	shalt  }
0x5a: {  	_ =	shalt  }
0x5b: {  	_ =	shalt  }
0x5c: {  	_ =	shalt  }
0x5d: {  	_ =	shalt  }
0x5e: {  	_ =	shalt  }
0x5f: {  	_ =	shalt  }
0x60: {  	_ =	shalt  }
0x61: {  	_ =	shalt  }
0x62: {  	_ =	shalt  }
0x63: {  	_ =	shalt  }
0x64: {  	_ =	shalt  }
0x65: {  	_ =	shalt  }
0x66: {  	_ =	shalt  }
0x67: {  	_ =	shalt  }
0x68: {  	_ =	shalt  }
0x69: {  	_ =	shalt  }
0x6a: {  	_ =	shalt  }
0x6b: {  	_ =	shalt  }
0x6c: {  	_ =	shalt  }
0x6d: {  	_ =	shalt  }
0x6e: {  	_ =	shalt  }
0x6f: {  	_ =	shalt  }
0x70: {  	_ =	shalt  }
0x71: {  	_ =	shalt  }
0x72: {  	_ =	shalt  }
0x73: {  	_ =	shalt  }
0x74: {  	_ =	shalt  }
0x75: {  	_ =	shalt  }
0x76: {  	_ =	shalt  }
0x77: {  	_ =	shalt  }
0x78: {  	_ =	shalt  }
0x79: {  	_ =	shalt  }
0x7a: {  	_ =	shalt  }
0x7b: {  	_ =	shalt  }
0x7c: {  	_ =	shalt  }
0x7d: {  	_ =	shalt  }
0x7e: {  	_ =	shalt  }
0x7f: {  	_ =	shalt  }
0x80: {  	_ =	shalt  }
0x81: {  	_ =	shalt  }
0x82: {  	_ =	shalt  }
0x83: {  	_ =	shalt  }
0x84: {  	_ =	shalt  }
0x85: {  	_ =	shalt  }
0x86: {  	_ =	shalt  }
0x87: {  	_ =	shalt  }
.Lfunc_end0:
.L_simem_size_0:
called_computation.1_lowered:
.L_overlay_start_0:
0x88: {  	s2 =	sld [smem:$0x3FD9]  }
0x89: {  	s3 =	sld [smem:$0x3FFE];
	_ =	sdelay $0x1  }
0x8a: {  	s1 =	srdreg.scid  }
0x8b: {  	s0 =	sand.u32 $0x1, s1  }
0x8c: {  	s17 =	sshll.u32 s0, $0xA;
	s2 =	sadd.s32 s3, s2  }
0x8d: {  	s2 =	sadd.s32 s2, s17  }
0x8e: {  	[smem:$0x3FC4] =	sst s2  }
0x8f: {  	_ = 	snop  }
0x90: {  	s2 =	sld [smem:$0x3FD0];
	(tm) =	ssettm $0x1  }
0x91: {  	s18 =	sld [smem:$0x3FFB];
	_ =	sdelay $0x3  }
0x92: {  	_ =	strace s18  }
0x93: {  	s3 =	sld [smem:$0x3FFC];
	_ =	sdelay $0x3  }
0x94: {  	_ =	strace s3  }
0x95: {  	s3 =	sld [smem:$0x3FFD];
	_ =	sdelay $0x3  }
0x96: {  	_ =	strace s3  }
0x97: {  	_ =	strace $0x8FFFFFFF  }
0x98: {  	s19 =	sld [smem:$0x3FDB];
	_ =	sdelay $0x1  }
0x99: {  	s4 =	simm.s32 $_scs_section_size  }
0x9a: {  	s5 =	simm.s32 $_size__tile_overlayer_lowered;
	s6 =	simm.s32 $_tile_overlayer_lowered  }
0x9b: {  	s22 =	simm.s32 $0x1BFF;
	s21 =	sshll.u32 s6, $0x1;
	s3 =	sadd.s32 s4, s19  }
0x9c: {  	s7 =	simm.s32 $0x0;
	s20 =	sshll.u32 s5, $0x1;
	s5 =	sadd.s32 s21, s3  }
0x9d: {  	[timem:s7], [sflag:s22] =	dma.local [hbm:s5], s20  }
0x9e: {  	_ =	swait.ge [sflag:s22], s20  }
0x9f: {  	s4 =	ssub.s32 $0x0, s20;
	[sflag:s22] =	ssyncset.done $0x0  }
0xa0: {  	[sflag:s22] =	ssyncadd.s32 s4;
	_ =	sdelay $0x1  }
0xa1: {  	s23 =	simm.s32 $0x1B8B  }
0xa2: {  	_ =	swait.ge [sflag:s23], $0x1  }
0xa3: {  	[sflag:s23] =	ssyncset.done $0x0  }
0xa4: {  	s25 =	simm.s32 $0x1B8E;
	s24 =	sld [smem:$0x3FFE];
	[sflag:s23] =	ssyncadd.s32 $0xFFFFFFFF  }
0xa5: {  	s26 =	simm.s32 $execute0_lowered;
	[smem:$0x3FD2] =	sst s25  }
0xa6: {  	s5 =	sshll.u32 s26, $0x1;
	_ =	strace $0x80000049;
	[dreg:$0x1] =	wrdreg $0xFFFFFFFF  }
0xa7: {  	s28 =	simm.s32 $_size_execute0_lowered;
	s3 =	sadd.s32 s3, s5;
	[dreg:$0x0] =	wrdreg $0x0  }
0xa8: {  	s5 =	sshll.u32 s28, $0x1;
	[dreg:$0x2] =	wrdreg s3  }
0xa9: {  	[dreg:$0x3] =	wrdreg s5  }
0xaa: {  	[dreg:$0x4] =	wrdreg $0xC0  }
0xab: {  	_ =	task [dreg:s7], $0x5FFFF  }
0xac: {  	[dreg:$0x1] =	wrdreg $0xFFFFFFFF  }
0xad: {  	[dreg:$0x0] =	wrdreg $0x60  }
0xae: {  	[dreg:$0x2] =	wrdreg s2  }
0xaf: {  	[dreg:$0x3] =	wrdreg s24  }
0xb0: {  	[dreg:$0x4] =	wrdreg $0x0  }
0xb1: {  	[dreg:$0x5] =	wrdreg $0x9  }
0xb2: {  	_ =	task.clear_ibuf [dreg:s7], $0x6FFFF;
	_ =	strace $0x90000049  }
0xb3: {  	s29 =	simm.s32 $0x9;
	_ =	strace $0x8000004B  }
0xb4: {  	_ =	swait.ge [sflag:s29], $0x1  }
0xb5: {  	[sflag:s29] =	ssyncadd.s32 $0xFFFFFFFF  }
0xb6: {  	_ =	strace $0x9000004B  }
0xb7: {  	_ =	sfence  }
0xb8: {  	s30 =	sld [smem:$0x0];
	_ =	sdelay $0x2  }
0xb9: {  	s31 =	sshll.u32 s1, $0xD;
	s1 =	sshrl.u32 s1, $0x2  }
0xba: {  	s3 =	sand.u32 $0x4000, s31;
	s1 =	sadd.s32 s1, s30  }
0xbb: {  	s0 =	sor.u32 s3, s0;
	s1 =	sshll.u32 s1, $0x11  }
0xbc: {  	s0 =	sor.u32 s1, s0  }
0xbd: {  	s0 =	sadd.s32 $0x8F2B, s0  }
0xbe: {  	[sflag:s0] =	ssyncadd.remote.s32 $0x1  }
0xbf: {  	_ =	sfence.sel $0xFFFF  }
0xc0: {  	[dreg:$0x0] =	wrdreg $0xFFFFFFFF;
	(pc) =	sbr.abs _section_cstart, $3  }
0xc1: {  	[dreg:$0x1] =	wrdreg $0xFFFFFFFF  }
0xc2: {  	_ =	task.clear_ibuf [dreg:s7], $0x2FFFF;
	_ =	strace $0x9FFFFFFF  }
0xc3: {  	(tm) =	ssettm $0x7FFFFFFF  }
tec
execute0_lowered:
.L_overlay_start_1:
0x0: {  	(tag) =	ssettag $0x1  }
0x1: {  	s0 =	rddreg [dreg:$0x0]  }
0x2: {  	s1 =	rddreg [dreg:$0x1]  }
0x3: {  	s2 =	rddreg [dreg:$0x2]  }
0x4: {  	s4 =	srdreg.scid;
	s12 =	stileid.u32  }
0x5: {  	s3 =	simm.s32 $0x0;
	s29 =	simm.s32 $0x17880;
	s30 =	simm.s32 $0x1E100  }
0x6: {  	s31 =	simm.s32 $0x1;
	s28 =	simm.s32 $0x9;
	s5 =	smul.u32 $0x2700, s12  }
0x7: {  	s4 =	sand.u32 $0x1, s4;
	[smem:$0x7FF] =	sst s3;
	s7 =	smul.u32 $0x14000, s12  }
0x8: {  	s8 =	sadd.s32 $0x1200, s1;
	s10 =	smul.u32 $0x50000, s12;
	s1 =	sadd.s32 $0xB000, s1  }
0x9: {  	s16 =	sadd.s32 $0x12C000, s2;
	s20 =	sshll.u32 s12, $0x3;
	s21 =	smul.u32 $0x4E0, s12  }
0xa: {  	p0 =	seq.s32 s12, $0xF;
	p1 =	sgt.u32 s12, $0x3;
	s6 =	smul.u32 $0x138800, s4  }
0xb: {  	_ =	strace $0x8000004A;
	s4 =	ssub.s32 $0x2, s4;
	[dreg:$0x7] =	wrdreg s16  }
0xc: {  	s16 =	simm.s32 $0x4;
	s9 =	sshrl.u32 s4, $0x1;
	s5 =	sshrl.u32 s5, $0x3  }
0xd: {  	s11 =	sshrl.u32 s10, $0x2;
	s25 =	sadd.s32 s21, s8;
	s21 =	simm.s32 $0x40  }
0xe: {  	s10 =	simm.s32 $0x0;
	s4 =	ssub.s32 s4, s9;
	s13 =	sadd.s32 s8, s5  }
0xf: {  	s7 =	sadd.s32 s7, s6;
	s5 =	sadd.s32 s11, s2;
	s6 =	sshrl.u32 s6, $0x3  }
0x10: {  	[dreg:$0x5] =	wrdreg s5;
	s14 =	sshrl.u32 s7, $0x3;
	s11 =	sadd.s32 $0x25800, s6  }
0x11: {  	s9 =	sadd.s32 s0, s6;
	s18 =	sadd.s32 $0x4E20, s13;
	s19 =	sadd.s32 $0x4E28, s13  }
0x12: {  	[dreg:$0x4] =	wrdreg s13;
	s22 =	sadd.s32 $0x4E30, s13;
	s26 =	smax.u32 s4, $0x1  }
0x13: {  	s13 =	simm.s32 $0x19880;
	s6 =	simm.s32 $0xB;
	[dreg:$0x9] =	wrdreg s18  }
0x14: {  	s15 =	sadd.s32 s0, s14;
	s17 =	sadd.s32 s0, s11;
	[dreg:$0xa] =	wrdreg s19  }
0x15: {  	[dreg:$0xb] =	wrdreg s22;
	s23 =	sadd.s32 s1, s11;
	s0 =	sadd.s32 s20, s8  }
0x16: {  	s1 =	sadd.s32 s1, s14;
	[dreg:$0x10] =	wrdreg s26;
	s20 =	simm.s32 $0xD  }
0x17: {  	s22 =	simm.s32 $0x13880;
	s26 =	simm.s32 $0x1E080;
	[dreg:$0x6] =	wrdreg s15  }
0x18: {  	s14 =	simm.s32 $0x1E180;
	s8 =	simm.s32 $0xC;
	[dreg:$0x8] =	wrdreg s17  }
.Ltmp0:
0x19: {  	[dreg:$0xc] =	wrdreg s23;
	s24 =	sadd.s32 $0x4E00, s0;
	(pc) =	sbr.rel .LBB2_1-.Ltmp0, $4  }
0x1a: {  	s0 =	sadd.s32 $0x9C20, s0;
	[dreg:$0xf] =	wrdreg s1;
	s23 =	simm.s32 $0x1E000  }
0x1b: {  	s15 =	simm.s32 $0x2;
	s1 =	simm.s32 $0x8;
	[dreg:$0xd] =	wrdreg s24  }
0x1c: {  	[dreg:$0xe] =	wrdreg s0;
	s0 =	sadd.s32 $0x4E38, s25;
	s25 =	simm.s32 $0x15880  }
0x1d: {  	s24 =	simm.s32 $0x6;
	[dreg:$0x11] =	wrdreg s0;
	s0 =	simm.s32 $0x5  }
.LBB2_8:
0x1e: {  	s4 =	rddreg [dreg:$0x7]  }
0x1f: {  	s5 =	rddreg [dreg:$0xc];
	s7 =	simm.s32 $0x1FCD;
	s4 =	sshrl.u32 s4, $0x3  }
0x20: {  	[hbm:s5], [sflag:s7] =	dma.local [spmem:s4], $0x1900  }
0x21: {  	_ =	swait.ge [sflag:s20], $0x1900  }
0x22: {  	[sflag:s20] =	ssyncset.done $0x0  }
0x23: {  	[sflag:s20] =	ssyncadd.s32 $0xFFFFE700  }
.LBB2_9:
0x24: {  	s10 =	sadd.s32 $0x1, s10;
	s4 =	rddreg [dreg:$0x10]  }
0x25: {  	p2 =	sne.s32 s10, s4  }
.Ltmp1:
0x26: {  	_ = 	snop;
	(pc) =	sbr.rel @!p2 .LBB2_10-.Ltmp1, $1  }
0x27: {  	_ =	sdelay $0x3  }
.LBB2_1:
0x28: {  	s4 =	rddreg [dreg:$0x4];
	s7 =	simm.s32 $0x1B880  }
0x29: {  	[tilespmem:s7], [sflag:$0xD] =	stream.linear.gather [hbm4b:s4+s3], $0x2700, $0x38;
	[tilespmem:$0x1E200] =	vst v63  }
0x2a: {  	_ =	swait.ge [sflag:s20], $0x2700  }
0x2b: {  	s12 =	simm.s32 @p0 $0x1FCD;
	[sflag:s20] =	ssyncset.done $0x0;
	s4 =	rddreg [dreg:$0x7]  }
0x2c: {  	s5 =	rddreg [dreg:$0x8];
	[sflag:s20] =	ssyncadd.s32 $0xFFFFD900;
	s4 =	sshrl.u32 @p0 s4, $0x3  }
0x2d: {  	[spmem:s4], [sflag:s12] =	dma.local @p0 [hbm:s5], $0x1900  }
0x2e: {  	s4 =	simm.s32 @p0 $0xD  }
0x2f: {  	_ =	swait.ge @p0 [sflag:s4], $0x1900  }
0x30: {  	s5 =	stileid.u32;
	[sflag:s4] =	ssyncset.done @p0 $0x0  }
0x31: {  	s12 =	sshll.u32 @!p0 s5, $0x6;
	s5 =	rddreg [dreg:$0x5];
	[sflag:s4] =	ssyncadd.s32 @p0 $0xFFFFE700  }
0x32: {  	s4 =	sor.u32 @!p0 $0x1C0D, s12;
	s12 =	sshrl.u32 @!p0 s5, $0x3;
	s5 =	rddreg [dreg:$0x6]  }
0x33: {  	[spmem:s12], [sflag:s4] =	dma.local @!p0 [hbm:s5], $0x2800  }
0x34: {  	s4 =	simm.s32 @!p0 $0xD  }
0x35: {  	_ =	swait.ge @!p0 [sflag:s4], $0x2800  }
0x36: {  	[sflag:s4] =	ssyncset.done @!p0 $0x0  }
0x37: {  	[sflag:s4] =	ssyncadd.s32 @!p0 $0xFFFFD800  }
0x38: {  	[bflag:$0x0] =	sbarrier.arrive $0xFFFF  }
0x39: {  	[tilespmem:s22], [sflag:$0x1] =	stream.indirect.gather [hbm4b:s9+s21], $0x80, s7, s21, $0xb8;
	[tilespmem:$0x1E200] =	vst v63  }
0x3a: {  	s11 =	rddreg [dreg:$0x9]  }
0x3b: {  	[tilespmem:s23], [sflag:$0x5] =	stream.linear.gather [hbm4b:s11+s3], $0x40, $0x38;
	[tilespmem:$0x1E200] =	vst v63  }
0x3c: {  	s12 =	simm.s32 $0x1B8C0  }
0x3d: {  	[tilespmem:s25], [sflag:$0x2] =	stream.indirect.gather [hbm4b:s9+s21], $0x80, s12, s21, $0xb8;
	[tilespmem:$0x1E200] =	vst v63  }
0x3e: {  	s17 =	rddreg [dreg:$0xa]  }
0x3f: {  	[tilespmem:s26], [sflag:$0x6] =	stream.linear.gather [hbm4b:s17+s3], $0x40, $0x38;
	[tilespmem:$0x1E200] =	vst v63  }
0x40: {  	s18 =	simm.s32 $0x1B900;
	s19 =	rddreg [dreg:$0xb]  }
0x41: {  	[tilespmem:s29], [sflag:$0x3] =	stream.indirect.gather [hbm4b:s9+s21], $0x80, s18, s21, $0xb8;
	[tilespmem:$0x1E200] =	vst v63  }
0x42: {  	s12 =	simm.s32 $0x0;
	s18 =	rddreg [dreg:$0x11]  }
0x43: {  	[tilespmem:s30], [sflag:$0x7] =	stream.linear.gather [hbm4b:s19+s3], $0x40, $0x38;
	[tilespmem:$0x1E200] =	vst v63  }
.LBB2_2:
0x44: {  	_ =	swait.ge [sflag:s31], $0x2000  }
0x45: {  	[sflag:s31] =	ssyncset.done $0x0  }
0x46: {  	[sflag:s31] =	ssyncadd.s32 $0xFFFFE000  }
0x47: {  	_ =	swait.ge [sflag:s0], $0x40  }
0x48: {  	p2 =	seq.s32 s12, $0x0;
	[sflag:s0] =	ssyncset.done $0x0  }
0x49: {  	s19 =	simm.s32 @!p2 $0xC;
	[sflag:s0] =	ssyncadd.s32 $0xFFFFFFC0  }
0x4a: {  	[spmem:s2] =	stream.indirect.scatter.add.f32 [tilespmem:s22], [sflag:$0x9], $0x80, s23, s21, $0xb8;
	[tilespmem:$0x1E200] =	vst v63  }
0x4b: {  	_ =	swait.ge @!p2 [sflag:s19], $0x2000  }
0x4c: {  	s4 =	sshra.s32 s12, $0x2;
	[sflag:s19] =	ssyncset.done @!p2 $0x0  }
0x4d: {  	s17 =	sadd.s32 $0x1B940, s4;
	[sflag:s19] =	ssyncadd.s32 @!p2 $0xFFFFE000  }
0x4e: {  	[tilespmem:s13], [sflag:$0x4] =	stream.indirect.gather [hbm4b:s9+s21], $0x80, s17, s21, $0xb8;
	[tilespmem:$0x1E200] =	vst v63  }
0x4f: {  	_ = 	snop  }
0x50: {  	[tilespmem:s14], [sflag:$0x8] =	stream.linear.gather [hbm4b:s18+s3], $0x40, $0x38;
	[tilespmem:$0x1E200] =	vst v63  }
0x51: {  	_ =	swait.ge [sflag:s15], $0x2000  }
0x52: {  	[sflag:s15] =	ssyncset.done $0x0  }
0x53: {  	[sflag:s15] =	ssyncadd.s32 $0xFFFFE000  }
0x54: {  	_ =	swait.ge [sflag:s24], $0x40  }
0x55: {  	[sflag:s24] =	ssyncset.done $0x0  }
0x56: {  	[sflag:s24] =	ssyncadd.s32 $0xFFFFFFC0  }
0x57: {  	[spmem:s2] =	stream.indirect.scatter.add.f32 [tilespmem:s25], [sflag:$0xA], $0x80, s26, s21, $0xb8;
	[tilespmem:$0x1E200] =	vst v63  }
0x58: {  	_ =	swait.ge [sflag:s28], $0x2000  }
0x59: {  	p2 =	seq.s32 s12, $0x9800;
	[sflag:s28] =	ssyncset.done $0x0  }
0x5a: {  	s19 =	simm.s32 @p2 $0x3;
	[sflag:s28] =	ssyncadd.s32 $0xFFFFE000  }
0x5b: {  	_ =	swait.ge @p2 [sflag:s19], $0x2000  }
0x5c: {  	[sflag:s19] =	ssyncset.done @p2 $0x0  }
0x5d: {  	[sflag:s19] =	ssyncadd.s32 @p2 $0xFFFFE000;
	s19 =	simm.s32 @p2 $0x7  }
0x5e: {  	_ =	swait.ge @p2 [sflag:s19], $0x40  }
0x5f: {  	s17 =	simm.s32 @p2 $0x1E100;
	[sflag:s19] =	ssyncset.done @p2 $0x0  }
0x60: {  	s11 =	simm.s32 @p2 $0x17880;
	[sflag:s19] =	ssyncadd.s32 @p2 $0xFFFFFFC0;
	s19 =	simm.s32 @p2 $0x40  }
0x61: {  	[spmem:s2] =	stream.indirect.scatter.add.f32 @p2 [tilespmem:s11], [sflag:$0xB], $0x80, s17, s19, $0xb8;
	[tilespmem:$0x1E200] =	vst v63  }
0x62: {  	s11 =	simm.s32 @p2 $0xA  }
0x63: {  	_ =	swait.ge @p2 [sflag:s11], $0x2000  }
0x64: {  	[sflag:s11] =	ssyncset.done @p2 $0x0  }
0x65: {  	[sflag:s11] =	ssyncadd.s32 @p2 $0xFFFFE000;
	s11 =	sshra.s32 @!p2 s12, $0x2  }
0x66: {  	s7 =	simm.s32 @!p2 $0x13880;
	s19 =	simm.s32 @!p2 $0x40;
	s17 =	sadd.s32 @!p2 $0x1B980, s11  }
0x67: {  	[tilespmem:s7], [sflag:$0x1] =	stream.indirect.gather @!p2 [hbm4b:s9+s19], $0x80, s17, s19, $0xb8;
	[tilespmem:$0x1E200] =	vst v63  }
0x68: {  	s5 =	simm.s32 @!p2 $0x1E000;
	s7 =	sadd.s32 @!p2 $0x8, s18;
	s17 =	simm.s32 @!p2 $0x0  }
0x69: {  	[tilespmem:s5], [sflag:$0x5] =	stream.linear.gather @!p2 [hbm4b:s7+s17], $0x40, $0x38;
	[tilespmem:$0x1E200] =	vst v63  }
0x6a: {  	s5 =	simm.s32 @!p2 $0x3  }
0x6b: {  	_ =	swait.ge @!p2 [sflag:s5], $0x2000  }
0x6c: {  	[sflag:s5] =	ssyncset.done @!p2 $0x0  }
0x6d: {  	[sflag:s5] =	ssyncadd.s32 @!p2 $0xFFFFE000;
	s5 =	simm.s32 @!p2 $0x7  }
0x6e: {  	_ =	swait.ge @!p2 [sflag:s5], $0x40  }
0x6f: {  	[sflag:s5] =	ssyncset.done @!p2 $0x0  }
0x70: {  	s7 =	simm.s32 @!p2 $0x17880;
	[sflag:s5] =	ssyncadd.s32 @!p2 $0xFFFFFFC0;
	s5 =	simm.s32 @!p2 $0x1E100  }
0x71: {  	[spmem:s2] =	stream.indirect.scatter.add.f32 @!p2 [tilespmem:s7], [sflag:$0xB], $0x80, s5, s19, $0xb8;
	[tilespmem:$0x1E200] =	vst v63  }
0x72: {  	s5 =	simm.s32 @!p2 $0xA  }
0x73: {  	_ =	swait.ge @!p2 [sflag:s5], $0x2000  }
0x74: {  	[sflag:s5] =	ssyncset.done @!p2 $0x0  }
0x75: {  	s7 =	simm.s32 @!p2 $0x15880;
	[sflag:s5] =	ssyncadd.s32 @!p2 $0xFFFFE000;
	s5 =	sadd.s32 @!p2 $0x1B9C0, s11  }
0x76: {  	[tilespmem:s7], [sflag:$0x2] =	stream.indirect.gather @!p2 [hbm4b:s9+s19], $0x80, s5, s19, $0xb8;
	[tilespmem:$0x1E200] =	vst v63  }
0x77: {  	s5 =	sadd.s32 @!p2 $0x10, s18;
	s7 =	simm.s32 @!p2 $0x1E080  }
0x78: {  	[tilespmem:s7], [sflag:$0x6] =	stream.linear.gather @!p2 [hbm4b:s5+s17], $0x40, $0x38;
	[tilespmem:$0x1E200] =	vst v63  }
0x79: {  	_ =	swait.ge [sflag:s16], $0x2000  }
0x7a: {  	[sflag:s16] =	ssyncset.done $0x0  }
0x7b: {  	[sflag:s16] =	ssyncadd.s32 $0xFFFFE000  }
0x7c: {  	_ =	swait.ge [sflag:s1], $0x40  }
0x7d: {  	[sflag:s1] =	ssyncset.done $0x0  }
.Ltmp2:
0x7e: {  	[sflag:s1] =	ssyncadd.s32 $0xFFFFFFC0;
	(pc) =	sbr.rel @p2 .LBB2_4-.Ltmp2, $4  }
0x7f: {  	[spmem:s2] =	stream.indirect.scatter.add.f32 [tilespmem:s13], [sflag:$0xC], $0x80, s14, s21, $0xb8;
	[tilespmem:$0x1E200] =	vst v63  }
0x80: {  	_ =	swait.ge [sflag:s6], $0x2000  }
0x81: {  	[sflag:s6] =	ssyncset.done $0x0  }
0x82: {  	[sflag:s6] =	ssyncadd.s32 $0xFFFFE000  }
.Ltmp3:
0x83: {  	(pc) =	sbr.rel .LBB2_2-.Ltmp3, $4  }
0x84: {  	s4 =	sadd.s32 $0x1BA00, s4  }
0x85: {  	[tilespmem:s29], [sflag:$0x3] =	stream.indirect.gather [hbm4b:s9+s21], $0x80, s4, s21, $0xb8;
	[tilespmem:$0x1E200] =	vst v63  }
0x86: {  	s19 =	sadd.s32 $0x18, s18;
	s12 =	sadd.s32 $0x400, s12;
	s18 =	sadd.s32 $0x20, s18  }
0x87: {  	[tilespmem:s30], [sflag:$0x7] =	stream.linear.gather [hbm4b:s19+s3], $0x40, $0x38;
	[tilespmem:$0x1E200] =	vst v63  }
.LBB2_4:
.Ltmp4:
0x88: {  	(pc) =	sbr.rel @p1 .LBB2_6-.Ltmp4, $4  }
0x89: {  	_ = 	snop  }
0x8a: {  	_ =	swait.ge [sflag:s8], $0x2000  }
0x8b: {  	[sflag:s8] =	ssyncset.done $0x0  }
0x8c: {  	[sflag:s8] =	ssyncadd.s32 $0xFFFFE000  }
0x8d: {  	s4 =	rddreg [dreg:$0xd];
	s5 =	simm.s32 $0x1DF80  }
0x8e: {  	[tilespmem:s5], [sflag:$0xD] =	stream.linear.gather [hbm4b:s4+s3], $0x40, $0x38;
	[tilespmem:$0x1E200] =	vst v63  }
0x8f: {  	_ =	swait.ge [sflag:s20], $0x40  }
0x90: {  	[sflag:s20] =	ssyncset.done $0x0  }
0x91: {  	s19 =	rddreg [dreg:$0xe];
	[sflag:s20] =	ssyncadd.s32 $0xFFFFFFC0  }
0x92: {  	[tilespmem:s23], [sflag:$0xD] =	stream.linear.gather [hbm4b:s19+s3], $0x40, $0x38;
	[tilespmem:$0x1E200] =	vst v63  }
0x93: {  	_ =	swait.ge [sflag:s20], $0x40  }
0x94: {  	[sflag:s20] =	ssyncset.done $0x0  }
0x95: {  	[sflag:s20] =	ssyncadd.s32 $0xFFFFFFC0  }
0x96: {  	[tilespmem:s22], [sflag:$0x1] =	stream.indirect.gather [hbm4b:s9+s21], $0x80, s5, s21, $0xb8;
	[tilespmem:$0x1E200] =	vst v63  }
0x97: {  	_ =	swait.ge [sflag:s31], $0x2000  }
0x98: {  	[sflag:s31] =	ssyncset.done $0x0  }
0x99: {  	[sflag:s31] =	ssyncadd.s32 $0xFFFFE000  }
0x9a: {  	[spmem:s2] =	stream.indirect.scatter.add.f32 [tilespmem:s22], [sflag:$0xD], $0x80, s23, s21, $0xb8;
	[tilespmem:$0x1E200] =	vst v63  }
.Ltmp5:
0x9b: {  	_ =	swait.ge [sflag:s20], $0x2000;
	(pc) =	sbr.rel .LBB2_7-.Ltmp5, $3  }
0x9c: {  	[sflag:s20] =	ssyncset.done $0x0  }
0x9d: {  	[sflag:s20] =	ssyncadd.s32 $0xFFFFE000  }
0x9e: {  	[bflag:$0x0] =	sbarrier.arrive $0xFFFF;
	_ =	sdelay $0x1  }
.LBB2_6:
.Ltmp6:
0x9f: {  	(pc) =	sbr.rel @p0 .LBB2_8-.Ltmp6, $2  }
0xa0: {  	_ =	sdelay $0x1  }
0xa1: {  	[bflag:$0x0] =	sbarrier.arrive $0xFFFF;
	_ =	sdelay $0x1  }
.LBB2_7:
0xa2: {  	s4 =	stileid.u32;
	s5 =	rddreg [dreg:$0x5]  }
0xa3: {  	s7 =	rddreg [dreg:$0xf];
	s4 =	sshll.u32 s4, $0x6  }
.Ltmp7:
0xa4: {  	s5 =	sshrl.u32 s5, $0x3;
	s4 =	sor.u32 $0x1C0D, s4;
	(pc) =	sbr.rel .LBB2_9-.Ltmp7, $4  }
0xa5: {  	[hbm:s7], [sflag:s4] =	dma.local [spmem:s5], $0x2800  }
0xa6: {  	_ =	swait.ge [sflag:s20], $0x2800  }
0xa7: {  	[sflag:s20] =	ssyncset.done $0x0  }
0xa8: {  	[sflag:s20] =	ssyncadd.s32 $0xFFFFD800  }
.LBB2_10:
0xa9: {  	_ =	sfence.sel $0x180000  }
0xaa: {  	[bflag:$0x0] =	sbarrier.arrive $0xFFFF  }
0xab: {  	_ =	strace $0x9000004A  }
0xac: {  	s0 =	stileid.u32;
	[bflag:$0x2] =	sbarrier.arrive $0xFFFF  }
0xad: {  	p0 =	sne.s32 s0, $0x0;
	s0 =	rddreg [dreg:$0x3]  }
0xae: {  	s0 =	sadd.s32 @!p0 $0x100000, s0  }
0xaf: {  	[sflag:s0] =	ssyncadd.tile.s32 @!p0 $0x1;
	_ =	shalt  }
.Lfunc_end2:
_tile_overlayer_lowered:
.L_overlay_start_2:
0xb0: {  	(tag) =	ssettag $0x2  }
0xb1: {  	s0 =	rddreg [dreg:$0x0];
	s2 =	stileid.u32  }
0xb2: {  	s1 =	rddreg [dreg:$0x1];
	p0 =	sne.s32 s2, $0x0  }
0xb3: {  	s3 =	rddreg [dreg:$0x2];
	[bflag:$0x3] =	sbarrier.arrive $0xFFFF;
	s2 =	simm.s32 @!p0 $0x1C0D  }
0xb4: {  	[timem:s3], [sflag:s2] =	dma.local @!p0 [hbm:s0], s1  }
0xb5: {  	s0 =	simm.s32 @!p0 $0xD  }
0xb6: {  	_ =	swait.ge @!p0 [sflag:s0], s1  }
0xb7: {  	s1 =	ssub.s32 @!p0 $0x0, s1;
	[sflag:s0] =	ssyncset.done @!p0 $0x0  }
0xb8: {  	[sflag:s0] =	ssyncadd.s32 @!p0 s1  }
0xb9: {  	[bflag:$0x3] =	sbarrier.arrive $0xFFFF  }
0xba: {  	_ =	shalt  }

</sc_bundles>
